<compile_context>
chip_gen: v7x
topology: tpu7x:2x2x1
jax: 0.10.2.dev20260603
libtpu: 0.0.44.dev20260713+nightly
codegen_flags: <defaults>
</compile_context>

<pallas_src>
import functools

import jax
import jax.numpy as jnp
from jax import lax
from jax.experimental import pallas as pl
from jax.experimental.pallas import tpu as pltpu
from jax.experimental.pallas import tpu_sc as plsc

_FS = 48000.0
_C = 343000.0
_N_MICS = 192
_OVERLAP = 2048
_WINDOW = 8192
_DK = _FS / (_C * 16.0)

_NC = 2
_MPW = 8
_NW = _N_MICS // _MPW
_WSTART = 1920
_MARGIN = _OVERLAP - _WSTART
_WLEN = _WINDOW + _MARGIN
_SPLIT = 4224
_NCHUNK = _WINDOW // 16
_HALF = _NCHUNK // 2


def _prep(pos, mic_pos):

    def body(pos_ref, mic_ref, o_ref):
        diff = mic_ref[...] - pos_ref[...]
        d = jnp.sqrt(jnp.sum(diff * diff, axis=1))
        delay = (jnp.max(d) - d) * _DK
        di = delay.astype(jnp.int32)
        di = jnp.minimum(jnp.maximum(di, 0), _MARGIN - 1)
        df = delay - di.astype(jnp.float32)
        rows = jnp.stack([
            di.astype(jnp.float32),
            df * (1.0 / _N_MICS),
            (1.0 - df) * (1.0 / _N_MICS),
        ])
        rows = jnp.pad(rows, ((0, 5), (0, 256 - _N_MICS)))
        o_ref[...] = rows

    return pl.pallas_call(
        body,
        out_shape=jax.ShapeDtypeStruct((8, 256), jnp.float32),
    )(pos, mic_pos)


def _sc_beamform(params, buf3):
    mesh = plsc.VectorSubcoreMesh(core_axis_name="c", subcore_axis_name="s")

    @functools.partial(
        pl.kernel,
        out_type=jax.ShapeDtypeStruct((_NW, _WINDOW), jnp.float32),
        mesh=mesh,
        compiler_params=pltpu.CompilerParams(needs_layout_passes=False),
        scratch_types=[
            pltpu.VMEM((8, 256), jnp.float32),
            pltpu.VMEM((_MPW * _WLEN,), jnp.float32),
            pltpu.VMEM((_WINDOW,), jnp.float32),
            pltpu.SemaphoreType.DMA,
            pltpu.SemaphoreType.DMA,
        ],
    )
    def sc_kernel(par_hbm, buf_hbm, out_hbm, par_v, rows_v, acc_v, sem1, sem2):
        wid = lax.axis_index("s") * _NC + lax.axis_index("c")

        @pl.when(wid < _NW)
        def _():
            cps1, cps2 = [], []
            for k in range(_MPW):
                cps1.append(pltpu.async_copy(
                    buf_hbm.at[wid, k, pl.ds(_WSTART, _SPLIT)],
                    rows_v.at[pl.ds(k * _WLEN, _SPLIT)], sem1))
            for k in range(_MPW):
                cps2.append(pltpu.async_copy(
                    buf_hbm.at[wid, k, pl.ds(_WSTART + _SPLIT, _WLEN - _SPLIT)],
                    rows_v.at[pl.ds(k * _WLEN + _SPLIT, _WLEN - _SPLIT)], sem2))

            pltpu.sync_copy(par_hbm, par_v)

            zeros16 = jnp.zeros((16,), jnp.int32)
            st1, s0, s1 = [], [], []
            for k in range(_MPW):
                midx = zeros16 + (wid * _MPW + k)
                di = plsc.load_gather(par_v, [zeros16, midx]).astype(jnp.int32)
                st1.append(k * _WLEN + _MARGIN - jnp.max(di))
                s0.append(plsc.load_gather(par_v, [zeros16 + 1, midx]))
                s1.append(plsc.load_gather(par_v, [zeros16 + 2, midx]))

            def chunk(i):
                off = i * 16
                acc = jnp.zeros((16,), jnp.float32)
                for k in range(_MPW):
                    x1 = rows_v[pl.ds(off + st1[k], 16)]
                    x0 = rows_v[pl.ds(off + st1[k] - 1, 16)]
                    acc = acc + x1 * s1[k] + x0 * s0[k]
                acc_v[pl.ds(off, 16)] = acc

            for cp in cps1:
                cp.wait()
            plsc.parallel_loop(0, _HALF, 1, unroll=2)(chunk)
            for cp in cps2:
                cp.wait()
            plsc.parallel_loop(_HALF, _NCHUNK, 1, unroll=2)(chunk)

            pltpu.sync_copy(acc_v, out_hbm.at[wid])

    return sc_kernel(params, buf3)


def _combine(parts):
    def body(x_ref, o_ref):
        o_ref[...] = jnp.sum(x_ref[...], axis=0)

    return pl.pallas_call(
        body,
        out_shape=jax.ShapeDtypeStruct((_WINDOW,), jnp.float32),
    )(parts)


def kernel(pos, buffer, mic_pos):
    params = _prep(pos, mic_pos)
    parts = _sc_beamform(params, buffer.reshape(_NW, _MPW, -1))
    return _combine(parts)

# --- scband reference (transcript-rebuilt; emitter-appended) ---
"""Pipeline reference for scband-time-domain-beamformer-46583215292559 (READ-ONLY COPY).

The authoritative reference and input builder live on the scoring server;
editing this copy changes nothing except your own understanding.
"""

import jax, jax.numpy as jnp
import numpy as np

FS = 48000.0
SPEED_OF_SOUND = 343000.0
N_MICS = 192
OVERLAP = 2048
WINDOW = 8192


def setup_inputs(seed: int = 0) -> dict:
    key = jax.random.key(seed)
    k1, k2, k3 = jax.random.split(key, 3)
    # mic positions in mm within a 500mm cube
    mic_pos = jax.random.uniform(k1, (N_MICS, 3), dtype=jnp.float32) * 500.0
    # source position ~1.5m away so delays are small and indices stay in range
    pos = jax.random.normal(k2, (1, 3), dtype=jnp.float32) * 100.0 + jnp.array([[250.0, 250.0, 1500.0]], dtype=jnp.float32)
    buffer = jax.random.normal(k3, (N_MICS, OVERLAP + WINDOW), dtype=jnp.float32)
    return {"pos": pos, "buffer": buffer, "mic_pos": mic_pos}


def reference(pos, buffer, mic_pos):
    # cdist(pos, mic_pos)[0]
    distances = jnp.sqrt(jnp.sum((pos[:, None, :] - mic_pos[None, :, :]) ** 2, axis=-1))[0]
    distances = distances - distances.max()
    delay = -distances / SPEED_OF_SOUND * FS / 16.0  # >= 0
    delay_int = delay.astype(jnp.int32)
    delay_frac = delay - delay_int.astype(jnp.float32)
    delayed_idx = jnp.arange(WINDOW, dtype=jnp.int32)[None, :] + OVERLAP - delay_int[:, None]
    delayed_val = jnp.take_along_axis(buffer, delayed_idx, axis=1)
    delayed_val2 = jnp.take_along_axis(buffer, delayed_idx - 1, axis=1)
    delayed_val = delayed_val * (1.0 - delay_frac[:, None]) + delayed_val2 * delay_frac[:, None]
    return delayed_val.mean(axis=0)

if __name__ == "__main__":
    import jax
    _d = setup_inputs()
    print(jax.jit(kernel)(*tuple(_d.values())))

</pallas_src>

<mosaic_0001>
#map = affine_map<(d0, d1) -> (0, 0)>
#map1 = affine_map<(d0, d1) -> (0, 0, 0)>
module attributes {stable_mosaic.version = 14 : i64} {
  func.func @sc_kernel(%arg0: i32, %arg1: i32, %arg2: memref<8x256xf32, #tpu.memory_space<hbm>>, %arg3: memref<24x8x10240xf32, #tpu.memory_space<hbm>>, %arg4: memref<24x8192xf32, #tpu.memory_space<hbm>>, %arg5: memref<8x256xf32, #tpu.memory_space<vmem>>, %arg6: memref<66560xf32, #tpu.memory_space<vmem>>, %arg7: memref<8192xf32, #tpu.memory_space<vmem>>, %arg8: memref<!tpu.dma_semaphore, #tpu.memory_space<semaphore_mem>>, %arg9: memref<!tpu.dma_semaphore, #tpu.memory_space<semaphore_mem>>) attributes {dimension_semantics = [#tpu.dimension_semantics<core_parallel>, #tpu.dimension_semantics<subcore_parallel>], iteration_bounds = array<i64: 2, 16>, scalar_prefetch = 0 : i64, scratch_operands = 5 : i64, tpu.core_type = #tpu.core_type<sc_vector_subcore>, window_params = [{transform_indices = #map}, {transform_indices = #map1}, {transform_indices = #map}]} {
    %mul3A = arith.constant 2 : i32
    %mul3A_0 = arith.muli %arg1, %mul3A : i32
    %add3A = arith.addi %mul3A_0, %arg0 : i32
    %lt3A = arith.constant 24 : i32
    %lt3A_1 = arith.cmpi slt, %add3A, %lt3A : i32
    %convert_element_type3A = arith.extui %lt3A_1 : i1 to i32
    %cond3A = arith.constant 0 : i32
    %cond3A_2 = arith.cmpi ne, %convert_element_type3A, %cond3A : i32
    scf.if %cond3A_2 {
      %dma_start3A = arith.constant 0 : i32
      %dma_start3A_3 = arith.constant 0 : i32
      %dma_start3A_4 = tpu.memref_slice %arg6[%dma_start3A_3] : memref<66560xf32, #tpu.memory_space<vmem>> -> memref<4224xf32, #tpu.memory_space<vmem>>
      %dma_start3A_5 = arith.constant 1920 : i32
      %dma_start3A_6 = tpu.memref_slice %arg3[%add3A, %dma_start3A, %dma_start3A_5] : memref<24x8x10240xf32, #tpu.memory_space<hbm>> -> memref<1x1x4224xf32, #tpu.memory_space<hbm>>
      %dma_start3A_7 = tpu.memref_squeeze %dma_start3A_6 : memref<1x1x4224xf32, #tpu.memory_space<hbm>> -> memref<4224xf32, #tpu.memory_space<hbm>>
      %dma_start3A_8 = arith.constant 0 : i32
      %dma_start3A_9 = tpu.memref_slice %arg6[%dma_start3A_8] : memref<66560xf32, #tpu.memory_space<vmem>> -> memref<4224xf32, #tpu.memory_space<vmem>>
      %dma_start3A_10 = arith.constant 1920 : i32
      %dma_start3A_11 = tpu.memref_slice %arg3[%add3A, %dma_start3A, %dma_start3A_10] : memref<24x8x10240xf32, #tpu.memory_space<hbm>> -> memref<1x1x4224xf32, #tpu.memory_space<hbm>>
      %dma_start3A_12 = tpu.memref_squeeze %dma_start3A_11 : memref<1x1x4224xf32, #tpu.memory_space<hbm>> -> memref<4224xf32, #tpu.memory_space<hbm>>
      tpu.enqueue_dma source(%dma_start3A_12 : memref<4224xf32, #tpu.memory_space<hbm>>) target(%dma_start3A_9 : memref<4224xf32, #tpu.memory_space<vmem>>) target_semaphore(%arg8 : memref<!tpu.dma_semaphore, #tpu.memory_space<semaphore_mem>>)
      %dma_start3A_13 = arith.constant 1 : i32
      %dma_start3A_14 = arith.constant 8320 : i32
      %dma_start3A_15 = tpu.memref_slice %arg6[%dma_start3A_14] : memref<66560xf32, #tpu.memory_space<vmem>> -> memref<4224xf32, #tpu.memory_space<vmem>>
      %dma_start3A_16 = arith.constant 1920 : i32
      %dma_start3A_17 = tpu.memref_slice %arg3[%add3A, %dma_start3A_13, %dma_start3A_16] : memref<24x8x10240xf32, #tpu.memory_space<hbm>> -> memref<1x1x4224xf32, #tpu.memory_space<hbm>>
      %dma_start3A_18 = tpu.memref_squeeze %dma_start3A_17 : memref<1x1x4224xf32, #tpu.memory_space<hbm>> -> memref<4224xf32, #tpu.memory_space<hbm>>
      %dma_start3A_19 = arith.constant 8320 : i32
      %dma_start3A_20 = tpu.memref_slice %arg6[%dma_start3A_19] : memref<66560xf32, #tpu.memory_space<vmem>> -> memref<4224xf32, #tpu.memory_space<vmem>>
      %dma_start3A_21 = arith.constant 1920 : i32
      %dma_start3A_22 = tpu.memref_slice %arg3[%add3A, %dma_start3A_13, %dma_start3A_21] : memref<24x8x10240xf32, #tpu.memory_space<hbm>> -> memref<1x1x4224xf32, #tpu.memory_space<hbm>>
      %dma_start3A_23 = tpu.memref_squeeze %dma_start3A_22 : memref<1x1x4224xf32, #tpu.memory_space<hbm>> -> memref<4224xf32, #tpu.memory_space<hbm>>
      tpu.enqueue_dma source(%dma_start3A_23 : memref<4224xf32, #tpu.memory_space<hbm>>) target(%dma_start3A_20 : memref<4224xf32, #tpu.memory_space<vmem>>) target_semaphore(%arg8 : memref<!tpu.dma_semaphore, #tpu.memory_space<semaphore_mem>>)
      %dma_start3A_24 = arith.constant 2 : i32
      %dma_start3A_25 = arith.constant 16640 : i32
      %dma_start3A_26 = tpu.memref_slice %arg6[%dma_start3A_25] : memref<66560xf32, #tpu.memory_space<vmem>> -> memref<4224xf32, #tpu.memory_space<vmem>>
      %dma_start3A_27 = arith.constant 1920 : i32
      %dma_start3A_28 = tpu.memref_slice %arg3[%add3A, %dma_start3A_24, %dma_start3A_27] : memref<24x8x10240xf32, #tpu.memory_space<hbm>> -> memref<1x1x4224xf32, #tpu.memory_space<hbm>>
      %dma_start3A_29 = tpu.memref_squeeze %dma_start3A_28 : memref<1x1x4224xf32, #tpu.memory_space<hbm>> -> memref<4224xf32, #tpu.memory_space<hbm>>
      %dma_start3A_30 = arith.constant 16640 : i32
      %dma_start3A_31 = tpu.memref_slice %arg6[%dma_start3A_30] : memref<66560xf32, #tpu.memory_space<vmem>> -> memref<4224xf32, #tpu.memory_space<vmem>>
      %dma_start3A_32 = arith.constant 1920 : i32
      %dma_start3A_33 = tpu.memref_slice %arg3[%add3A, %dma_start3A_24, %dma_start3A_32] : memref<24x8x10240xf32, #tpu.memory_space<hbm>> -> memref<1x1x4224xf32, #tpu.memory_space<hbm>>
      %dma_start3A_34 = tpu.memref_squeeze %dma_start3A_33 : memref<1x1x4224xf32, #tpu.memory_space<hbm>> -> memref<4224xf32, #tpu.memory_space<hbm>>
      tpu.enqueue_dma source(%dma_start3A_34 : memref<4224xf32, #tpu.memory_space<hbm>>) target(%dma_start3A_31 : memref<4224xf32, #tpu.memory_space<vmem>>) target_semaphore(%arg8 : memref<!tpu.dma_semaphore, #tpu.memory_space<semaphore_mem>>)
      %dma_start3A_35 = arith.constant 3 : i32
      %dma_start3A_36 = arith.constant 24960 : i32
      %dma_start3A_37 = tpu.memref_slice %arg6[%dma_start3A_36] : memref<66560xf32, #tpu.memory_space<vmem>> -> memref<4224xf32, #tpu.memory_space<vmem>>
      %dma_start3A_38 = arith.constant 1920 : i32
      %dma_start3A_39 = tpu.memref_slice %arg3[%add3A, %dma_start3A_35, %dma_start3A_38] : memref<24x8x10240xf32, #tpu.memory_space<hbm>> -> memref<1x1x4224xf32, #tpu.memory_space<hbm>>
      %dma_start3A_40 = tpu.memref_squeeze %dma_start3A_39 : memref<1x1x4224xf32, #tpu.memory_space<hbm>> -> memref<4224xf32, #tpu.memory_space<hbm>>
      %dma_start3A_41 = arith.constant 24960 : i32
      %dma_start3A_42 = tpu.memref_slice %arg6[%dma_start3A_41] : memref<66560xf32, #tpu.memory_space<vmem>> -> memref<4224xf32, #tpu.memory_space<vmem>>
      %dma_start3A_43 = arith.constant 1920 : i32
      %dma_start3A_44 = tpu.memref_slice %arg3[%add3A, %dma_start3A_35, %dma_start3A_43] : memref<24x8x10240xf32, #tpu.memory_space<hbm>> -> memref<1x1x4224xf32, #tpu.memory_space<hbm>>
      %dma_start3A_45 = tpu.memref_squeeze %dma_start3A_44 : memref<1x1x4224xf32, #tpu.memory_space<hbm>> -> memref<4224xf32, #tpu.memory_space<hbm>>
      tpu.enqueue_dma source(%dma_start3A_45 : memref<4224xf32, #tpu.memory_space<hbm>>) target(%dma_start3A_42 : memref<4224xf32, #tpu.memory_space<vmem>>) target_semaphore(%arg8 : memref<!tpu.dma_semaphore, #tpu.memory_space<semaphore_mem>>)
      %dma_start3A_46 = arith.constant 4 : i32
      %dma_start3A_47 = arith.constant 33280 : i32
      %dma_start3A_48 = tpu.memref_slice %arg6[%dma_start3A_47] : memref<66560xf32, #tpu.memory_space<vmem>> -> memref<4224xf32, #tpu.memory_space<vmem>>
      %dma_start3A_49 = arith.constant 1920 : i32
      %dma_start3A_50 = tpu.memref_slice %arg3[%add3A, %dma_start3A_46, %dma_start3A_49] : memref<24x8x10240xf32, #tpu.memory_space<hbm>> -> memref<1x1x4224xf32, #tpu.memory_space<hbm>>
      %dma_start3A_51 = tpu.memref_squeeze %dma_start3A_50 : memref<1x1x4224xf32, #tpu.memory_space<hbm>> -> memref<4224xf32, #tpu.memory_space<hbm>>
      %dma_start3A_52 = arith.constant 33280 : i32
      %dma_start3A_53 = tpu.memref_slice %arg6[%dma_start3A_52] : memref<66560xf32, #tpu.memory_space<vmem>> -> memref<4224xf32, #tpu.memory_space<vmem>>
      %dma_start3A_54 = arith.constant 1920 : i32
      %dma_start3A_55 = tpu.memref_slice %arg3[%add3A, %dma_start3A_46, %dma_start3A_54] : memref<24x8x10240xf32, #tpu.memory_space<hbm>> -> memref<1x1x4224xf32, #tpu.memory_space<hbm>>
      %dma_start3A_56 = tpu.memref_squeeze %dma_start3A_55 : memref<1x1x4224xf32, #tpu.memory_space<hbm>> -> memref<4224xf32, #tpu.memory_space<hbm>>
      tpu.enqueue_dma source(%dma_start3A_56 : memref<4224xf32, #tpu.memory_space<hbm>>) target(%dma_start3A_53 : memref<4224xf32, #tpu.memory_space<vmem>>) target_semaphore(%arg8 : memref<!tpu.dma_semaphore, #tpu.memory_space<semaphore_mem>>)
      %dma_start3A_57 = arith.constant 5 : i32
      %dma_start3A_58 = arith.constant 41600 : i32
      %dma_start3A_59 = tpu.memref_slice %arg6[%dma_start3A_58] : memref<66560xf32, #tpu.memory_space<vmem>> -> memref<4224xf32, #tpu.memory_space<vmem>>
      %dma_start3A_60 = arith.constant 1920 : i32
      %dma_start3A_61 = tpu.memref_slice %arg3[%add3A, %dma_start3A_57, %dma_start3A_60] : memref<24x8x10240xf32, #tpu.memory_space<hbm>> -> memref<1x1x4224xf32, #tpu.memory_space<hbm>>
      %dma_start3A_62 = tpu.memref_squeeze %dma_start3A_61 : memref<1x1x4224xf32, #tpu.memory_space<hbm>> -> memref<4224xf32, #tpu.memory_space<hbm>>
      %dma_start3A_63 = arith.constant 41600 : i32
      %dma_start3A_64 = tpu.memref_slice %arg6[%dma_start3A_63] : memref<66560xf32, #tpu.memory_space<vmem>> -> memref<4224xf32, #tpu.memory_space<vmem>>
      %dma_start3A_65 = arith.constant 1920 : i32
      %dma_start3A_66 = tpu.memref_slice %arg3[%add3A, %dma_start3A_57, %dma_start3A_65] : memref<24x8x10240xf32, #tpu.memory_space<hbm>> -> memref<1x1x4224xf32, #tpu.memory_space<hbm>>
      %dma_start3A_67 = tpu.memref_squeeze %dma_start3A_66 : memref<1x1x4224xf32, #tpu.memory_space<hbm>> -> memref<4224xf32, #tpu.memory_space<hbm>>
      tpu.enqueue_dma source(%dma_start3A_67 : memref<4224xf32, #tpu.memory_space<hbm>>) target(%dma_start3A_64 : memref<4224xf32, #tpu.memory_space<vmem>>) target_semaphore(%arg8 : memref<!tpu.dma_semaphore, #tpu.memory_space<semaphore_mem>>)
      %dma_start3A_68 = arith.constant 6 : i32
      %dma_start3A_69 = arith.constant 49920 : i32
      %dma_start3A_70 = tpu.memref_slice %arg6[%dma_start3A_69] : memref<66560xf32, #tpu.memory_space<vmem>> -> memref<4224xf32, #tpu.memory_space<vmem>>
      %dma_start3A_71 = arith.constant 1920 : i32
      %dma_start3A_72 = tpu.memref_slice %arg3[%add3A, %dma_start3A_68, %dma_start3A_71] : memref<24x8x10240xf32, #tpu.memory_space<hbm>> -> memref<1x1x4224xf32, #tpu.memory_space<hbm>>
      %dma_start3A_73 = tpu.memref_squeeze %dma_start3A_72 : memref<1x1x4224xf32, #tpu.memory_space<hbm>> -> memref<4224xf32, #tpu.memory_space<hbm>>
      %dma_start3A_74 = arith.constant 49920 : i32
      %dma_start3A_75 = tpu.memref_slice %arg6[%dma_start3A_74] : memref<66560xf32, #tpu.memory_space<vmem>> -> memref<4224xf32, #tpu.memory_space<vmem>>
      %dma_start3A_76 = arith.constant 1920 : i32
      %dma_start3A_77 = tpu.memref_slice %arg3[%add3A, %dma_start3A_68, %dma_start3A_76] : memref<24x8x10240xf32, #tpu.memory_space<hbm>> -> memref<1x1x4224xf32, #tpu.memory_space<hbm>>
      %dma_start3A_78 = tpu.memref_squeeze %dma_start3A_77 : memref<1x1x4224xf32, #tpu.memory_space<hbm>> -> memref<4224xf32, #tpu.memory_space<hbm>>
      tpu.enqueue_dma source(%dma_start3A_78 : memref<4224xf32, #tpu.memory_space<hbm>>) target(%dma_start3A_75 : memref<4224xf32, #tpu.memory_space<vmem>>) target_semaphore(%arg8 : memref<!tpu.dma_semaphore, #tpu.memory_space<semaphore_mem>>)
      %dma_start3A_79 = arith.constant 7 : i32
      %dma_start3A_80 = arith.constant 58240 : i32
      %dma_start3A_81 = tpu.memref_slice %arg6[%dma_start3A_80] : memref<66560xf32, #tpu.memory_space<vmem>> -> memref<4224xf32, #tpu.memory_space<vmem>>
      %dma_start3A_82 = arith.constant 1920 : i32
      %dma_start3A_83 = tpu.memref_slice %arg3[%add3A, %dma_start3A_79, %dma_start3A_82] : memref<24x8x10240xf32, #tpu.memory_space<hbm>> -> memref<1x1x4224xf32, #tpu.memory_space<hbm>>
      %dma_start3A_84 = tpu.memref_squeeze %dma_start3A_83 : memref<1x1x4224xf32, #tpu.memory_space<hbm>> -> memref<4224xf32, #tpu.memory_space<hbm>>
      %dma_start3A_85 = arith.constant 58240 : i32
      %dma_start3A_86 = tpu.memref_slice %arg6[%dma_start3A_85] : memref<66560xf32, #tpu.memory_space<vmem>> -> memref<4224xf32, #tpu.memory_space<vmem>>
      %dma_start3A_87 = arith.constant 1920 : i32
      %dma_start3A_88 = tpu.memref_slice %arg3[%add3A, %dma_start3A_79, %dma_start3A_87] : memref<24x8x10240xf32, #tpu.memory_space<hbm>> -> memref<1x1x4224xf32, #tpu.memory_space<hbm>>
      %dma_start3A_89 = tpu.memref_squeeze %dma_start3A_88 : memref<1x1x4224xf32, #tpu.memory_space<hbm>> -> memref<4224xf32, #tpu.memory_space<hbm>>
      tpu.enqueue_dma source(%dma_start3A_89 : memref<4224xf32, #tpu.memory_space<hbm>>) target(%dma_start3A_86 : memref<4224xf32, #tpu.memory_space<vmem>>) target_semaphore(%arg8 : memref<!tpu.dma_semaphore, #tpu.memory_space<semaphore_mem>>)
      %dma_start3A_90 = arith.constant 0 : i32
      %dma_start3A_91 = arith.constant 4224 : i32
      %dma_start3A_92 = tpu.memref_slice %arg6[%dma_start3A_91] : memref<66560xf32, #tpu.memory_space<vmem>> -> memref<4096xf32, #tpu.memory_space<vmem>>
      %dma_start3A_93 = arith.constant 6144 : i32
      %dma_start3A_94 = tpu.memref_slice %arg3[%add3A, %dma_start3A_90, %dma_start3A_93] : memref<24x8x10240xf32, #tpu.memory_space<hbm>> -> memref<1x1x4096xf32, #tpu.memory_space<hbm>>
      %dma_start3A_95 = tpu.memref_squeeze %dma_start3A_94 : memref<1x1x4096xf32, #tpu.memory_space<hbm>> -> memref<4096xf32, #tpu.memory_space<hbm>>
      %dma_start3A_96 = arith.constant 4224 : i32
      %dma_start3A_97 = tpu.memref_slice %arg6[%dma_start3A_96] : memref<66560xf32, #tpu.memory_space<vmem>> -> memref<4096xf32, #tpu.memory_space<vmem>>
      %dma_start3A_98 = arith.constant 6144 : i32
      %dma_start3A_99 = tpu.memref_slice %arg3[%add3A, %dma_start3A_90, %dma_start3A_98] : memref<24x8x10240xf32, #tpu.memory_space<hbm>> -> memref<1x1x4096xf32, #tpu.memory_space<hbm>>
      %dma_start3A_100 = tpu.memref_squeeze %dma_start3A_99 : memref<1x1x4096xf32, #tpu.memory_space<hbm>> -> memref<4096xf32, #tpu.memory_space<hbm>>
      tpu.enqueue_dma source(%dma_start3A_100 : memref<4096xf32, #tpu.memory_space<hbm>>) target(%dma_start3A_97 : memref<4096xf32, #tpu.memory_space<vmem>>) target_semaphore(%arg9 : memref<!tpu.dma_semaphore, #tpu.memory_space<semaphore_mem>>)
      %dma_start3A_101 = arith.constant 1 : i32
      %dma_start3A_102 = arith.constant 12544 : i32
      %dma_start3A_103 = tpu.memref_slice %arg6[%dma_start3A_102] : memref<66560xf32, #tpu.memory_space<vmem>> -> memref<4096xf32, #tpu.memory_space<vmem>>
      %dma_start3A_104 = arith.constant 6144 : i32
      %dma_start3A_105 = tpu.memref_slice %arg3[%add3A, %dma_start3A_101, %dma_start3A_104] : memref<24x8x10240xf32, #tpu.memory_space<hbm>> -> memref<1x1x4096xf32, #tpu.memory_space<hbm>>
      %dma_start3A_106 = tpu.memref_squeeze %dma_start3A_105 : memref<1x1x4096xf32, #tpu.memory_space<hbm>> -> memref<4096xf32, #tpu.memory_space<hbm>>
      %dma_start3A_107 = arith.constant 12544 : i32
      %dma_start3A_108 = tpu.memref_slice %arg6[%dma_start3A_107] : memref<66560xf32, #tpu.memory_space<vmem>> -> memref<4096xf32, #tpu.memory_space<vmem>>
      %dma_start3A_109 = arith.constant 6144 : i32
      %dma_start3A_110 = tpu.memref_slice %arg3[%add3A, %dma_start3A_101, %dma_start3A_109] : memref<24x8x10240xf32, #tpu.memory_space<hbm>> -> memref<1x1x4096xf32, #tpu.memory_space<hbm>>
      %dma_start3A_111 = tpu.memref_squeeze %dma_start3A_110 : memref<1x1x4096xf32, #tpu.memory_space<hbm>> -> memref<4096xf32, #tpu.memory_space<hbm>>
      tpu.enqueue_dma source(%dma_start3A_111 : memref<4096xf32, #tpu.memory_space<hbm>>) target(%dma_start3A_108 : memref<4096xf32, #tpu.memory_space<vmem>>) target_semaphore(%arg9 : memref<!tpu.dma_semaphore, #tpu.memory_space<semaphore_mem>>)
      %dma_start3A_112 = arith.constant 2 : i32
      %dma_start3A_113 = arith.constant 20864 : i32
      %dma_start3A_114 = tpu.memref_slice %arg6[%dma_start3A_113] : memref<66560xf32, #tpu.memory_space<vmem>> -> memref<4096xf32, #tpu.memory_space<vmem>>
      %dma_start3A_115 = arith.constant 6144 : i32
      %dma_start3A_116 = tpu.memref_slice %arg3[%add3A, %dma_start3A_112, %dma_start3A_115] : memref<24x8x10240xf32, #tpu.memory_space<hbm>> -> memref<1x1x4096xf32, #tpu.memory_space<hbm>>
      %dma_start3A_117 = tpu.memref_squeeze %dma_start3A_116 : memref<1x1x4096xf32, #tpu.memory_space<hbm>> -> memref<4096xf32, #tpu.memory_space<hbm>>
      %dma_start3A_118 = arith.constant 20864 : i32
      %dma_start3A_119 = tpu.memref_slice %arg6[%dma_start3A_118] : memref<66560xf32, #tpu.memory_space<vmem>> -> memref<4096xf32, #tpu.memory_space<vmem>>
      %dma_start3A_120 = arith.constant 6144 : i32
      %dma_start3A_121 = tpu.memref_slice %arg3[%add3A, %dma_start3A_112, %dma_start3A_120] : memref<24x8x10240xf32, #tpu.memory_space<hbm>> -> memref<1x1x4096xf32, #tpu.memory_space<hbm>>
      %dma_start3A_122 = tpu.memref_squeeze %dma_start3A_121 : memref<1x1x4096xf32, #tpu.memory_space<hbm>> -> memref<4096xf32, #tpu.memory_space<hbm>>
      tpu.enqueue_dma source(%dma_start3A_122 : memref<4096xf32, #tpu.memory_space<hbm>>) target(%dma_start3A_119 : memref<4096xf32, #tpu.memory_space<vmem>>) target_semaphore(%arg9 : memref<!tpu.dma_semaphore, #tpu.memory_space<semaphore_mem>>)
      %dma_start3A_123 = arith.constant 3 : i32
      %dma_start3A_124 = arith.constant 29184 : i32
      %dma_start3A_125 = tpu.memref_slice %arg6[%dma_start3A_124] : memref<66560xf32, #tpu.memory_space<vmem>> -> memref<4096xf32, #tpu.memory_space<vmem>>
      %dma_start3A_126 = arith.constant 6144 : i32
      %dma_start3A_127 = tpu.memref_slice %arg3[%add3A, %dma_start3A_123, %dma_start3A_126] : memref<24x8x10240xf32, #tpu.memory_space<hbm>> -> memref<1x1x4096xf32, #tpu.memory_space<hbm>>
      %dma_start3A_128 = tpu.memref_squeeze %dma_start3A_127 : memref<1x1x4096xf32, #tpu.memory_space<hbm>> -> memref<4096xf32, #tpu.memory_space<hbm>>
      %dma_start3A_129 = arith.constant 29184 : i32
      %dma_start3A_130 = tpu.memref_slice %arg6[%dma_start3A_129] : memref<66560xf32, #tpu.memory_space<vmem>> -> memref<4096xf32, #tpu.memory_space<vmem>>
      %dma_start3A_131 = arith.constant 6144 : i32
      %dma_start3A_132 = tpu.memref_slice %arg3[%add3A, %dma_start3A_123, %dma_start3A_131] : memref<24x8x10240xf32, #tpu.memory_space<hbm>> -> memref<1x1x4096xf32, #tpu.memory_space<hbm>>
      %dma_start3A_133 = tpu.memref_squeeze %dma_start3A_132 : memref<1x1x4096xf32, #tpu.memory_space<hbm>> -> memref<4096xf32, #tpu.memory_space<hbm>>
      tpu.enqueue_dma source(%dma_start3A_133 : memref<4096xf32, #tpu.memory_space<hbm>>) target(%dma_start3A_130 : memref<4096xf32, #tpu.memory_space<vmem>>) target_semaphore(%arg9 : memref<!tpu.dma_semaphore, #tpu.memory_space<semaphore_mem>>)
      %dma_start3A_134 = arith.constant 4 : i32
      %dma_start3A_135 = arith.constant 37504 : i32
      %dma_start3A_136 = tpu.memref_slice %arg6[%dma_start3A_135] : memref<66560xf32, #tpu.memory_space<vmem>> -> memref<4096xf32, #tpu.memory_space<vmem>>
      %dma_start3A_137 = arith.constant 6144 : i32
      %dma_start3A_138 = tpu.memref_slice %arg3[%add3A, %dma_start3A_134, %dma_start3A_137] : memref<24x8x10240xf32, #tpu.memory_space<hbm>> -> memref<1x1x4096xf32, #tpu.memory_space<hbm>>
      %dma_start3A_139 = tpu.memref_squeeze %dma_start3A_138 : memref<1x1x4096xf32, #tpu.memory_space<hbm>> -> memref<4096xf32, #tpu.memory_space<hbm>>
      %dma_start3A_140 = arith.constant 37504 : i32
      %dma_start3A_141 = tpu.memref_slice %arg6[%dma_start3A_140] : memref<66560xf32, #tpu.memory_space<vmem>> -> memref<4096xf32, #tpu.memory_space<vmem>>
      %dma_start3A_142 = arith.constant 6144 : i32
      %dma_start3A_143 = tpu.memref_slice %arg3[%add3A, %dma_start3A_134, %dma_start3A_142] : memref<24x8x10240xf32, #tpu.memory_space<hbm>> -> memref<1x1x4096xf32, #tpu.memory_space<hbm>>
      %dma_start3A_144 = tpu.memref_squeeze %dma_start3A_143 : memref<1x1x4096xf32, #tpu.memory_space<hbm>> -> memref<4096xf32, #tpu.memory_space<hbm>>
      tpu.enqueue_dma source(%dma_start3A_144 : memref<4096xf32, #tpu.memory_space<hbm>>) target(%dma_start3A_141 : memref<4096xf32, #tpu.memory_space<vmem>>) target_semaphore(%arg9 : memref<!tpu.dma_semaphore, #tpu.memory_space<semaphore_mem>>)
      %dma_start3A_145 = arith.constant 5 : i32
      %dma_start3A_146 = arith.constant 45824 : i32
      %dma_start3A_147 = tpu.memref_slice %arg6[%dma_start3A_146] : memref<66560xf32, #tpu.memory_space<vmem>> -> memref<4096xf32, #tpu.memory_space<vmem>>
      %dma_start3A_148 = arith.constant 6144 : i32
      %dma_start3A_149 = tpu.memref_slice %arg3[%add3A, %dma_start3A_145, %dma_start3A_148] : memref<24x8x10240xf32, #tpu.memory_space<hbm>> -> memref<1x1x4096xf32, #tpu.memory_space<hbm>>
      %dma_start3A_150 = tpu.memref_squeeze %dma_start3A_149 : memref<1x1x4096xf32, #tpu.memory_space<hbm>> -> memref<4096xf32, #tpu.memory_space<hbm>>
      %dma_start3A_151 = arith.constant 45824 : i32
      %dma_start3A_152 = tpu.memref_slice %arg6[%dma_start3A_151] : memref<66560xf32, #tpu.memory_space<vmem>> -> memref<4096xf32, #tpu.memory_space<vmem>>
      %dma_start3A_153 = arith.constant 6144 : i32
      %dma_start3A_154 = tpu.memref_slice %arg3[%add3A, %dma_start3A_145, %dma_start3A_153] : memref<24x8x10240xf32, #tpu.memory_space<hbm>> -> memref<1x1x4096xf32, #tpu.memory_space<hbm>>
      %dma_start3A_155 = tpu.memref_squeeze %dma_start3A_154 : memref<1x1x4096xf32, #tpu.memory_space<hbm>> -> memref<4096xf32, #tpu.memory_space<hbm>>
      tpu.enqueue_dma source(%dma_start3A_155 : memref<4096xf32, #tpu.memory_space<hbm>>) target(%dma_start3A_152 : memref<4096xf32, #tpu.memory_space<vmem>>) target_semaphore(%arg9 : memref<!tpu.dma_semaphore, #tpu.memory_space<semaphore_mem>>)
      %dma_start3A_156 = arith.constant 6 : i32
      %dma_start3A_157 = arith.constant 54144 : i32
      %dma_start3A_158 = tpu.memref_slice %arg6[%dma_start3A_157] : memref<66560xf32, #tpu.memory_space<vmem>> -> memref<4096xf32, #tpu.memory_space<vmem>>
      %dma_start3A_159 = arith.constant 6144 : i32
      %dma_start3A_160 = tpu.memref_slice %arg3[%add3A, %dma_start3A_156, %dma_start3A_159] : memref<24x8x10240xf32, #tpu.memory_space<hbm>> -> memref<1x1x4096xf32, #tpu.memory_space<hbm>>
      %dma_start3A_161 = tpu.memref_squeeze %dma_start3A_160 : memref<1x1x4096xf32, #tpu.memory_space<hbm>> -> memref<4096xf32, #tpu.memory_space<hbm>>
      %dma_start3A_162 = arith.constant 54144 : i32
      %dma_start3A_163 = tpu.memref_slice %arg6[%dma_start3A_162] : memref<66560xf32, #tpu.memory_space<vmem>> -> memref<4096xf32, #tpu.memory_space<vmem>>
      %dma_start3A_164 = arith.constant 6144 : i32
      %dma_start3A_165 = tpu.memref_slice %arg3[%add3A, %dma_start3A_156, %dma_start3A_164] : memref<24x8x10240xf32, #tpu.memory_space<hbm>> -> memref<1x1x4096xf32, #tpu.memory_space<hbm>>
      %dma_start3A_166 = tpu.memref_squeeze %dma_start3A_165 : memref<1x1x4096xf32, #tpu.memory_space<hbm>> -> memref<4096xf32, #tpu.memory_space<hbm>>
      tpu.enqueue_dma source(%dma_start3A_166 : memref<4096xf32, #tpu.memory_space<hbm>>) target(%dma_start3A_163 : memref<4096xf32, #tpu.memory_space<vmem>>) target_semaphore(%arg9 : memref<!tpu.dma_semaphore, #tpu.memory_space<semaphore_mem>>)
      %dma_start3A_167 = arith.constant 7 : i32
      %dma_start3A_168 = arith.constant 62464 : i32
      %dma_start3A_169 = tpu.memref_slice %arg6[%dma_start3A_168] : memref<66560xf32, #tpu.memory_space<vmem>> -> memref<4096xf32, #tpu.memory_space<vmem>>
      %dma_start3A_170 = arith.constant 6144 : i32
      %dma_start3A_171 = tpu.memref_slice %arg3[%add3A, %dma_start3A_167, %dma_start3A_170] : memref<24x8x10240xf32, #tpu.memory_space<hbm>> -> memref<1x1x4096xf32, #tpu.memory_space<hbm>>
      %dma_start3A_172 = tpu.memref_squeeze %dma_start3A_171 : memref<1x1x4096xf32, #tpu.memory_space<hbm>> -> memref<4096xf32, #tpu.memory_space<hbm>>
      %dma_start3A_173 = arith.constant 62464 : i32
      %dma_start3A_174 = tpu.memref_slice %arg6[%dma_start3A_173] : memref<66560xf32, #tpu.memory_space<vmem>> -> memref<4096xf32, #tpu.memory_space<vmem>>
      %dma_start3A_175 = arith.constant 6144 : i32
      %dma_start3A_176 = tpu.memref_slice %arg3[%add3A, %dma_start3A_167, %dma_start3A_175] : memref<24x8x10240xf32, #tpu.memory_space<hbm>> -> memref<1x1x4096xf32, #tpu.memory_space<hbm>>
      %dma_start3A_177 = tpu.memref_squeeze %dma_start3A_176 : memref<1x1x4096xf32, #tpu.memory_space<hbm>> -> memref<4096xf32, #tpu.memory_space<hbm>>
      tpu.enqueue_dma source(%dma_start3A_177 : memref<4096xf32, #tpu.memory_space<hbm>>) target(%dma_start3A_174 : memref<4096xf32, #tpu.memory_space<vmem>>) target_semaphore(%arg9 : memref<!tpu.dma_semaphore, #tpu.memory_space<semaphore_mem>>)
      "tpu.region"() ({
        %run_scoped3A = tpu.sem_alloc : memref<!tpu.dma_semaphore, #tpu.memory_space<semaphore_mem>>
        tpu.enqueue_dma source(%arg2 : memref<8x256xf32, #tpu.memory_space<hbm>>) target(%arg5 : memref<8x256xf32, #tpu.memory_space<vmem>>) target_semaphore(%run_scoped3A : memref<!tpu.dma_semaphore, #tpu.memory_space<semaphore_mem>>)
        tpu.wait_dma2 semaphore(%run_scoped3A : memref<!tpu.dma_semaphore, #tpu.memory_space<semaphore_mem>>) src(%arg2 : memref<8x256xf32, #tpu.memory_space<hbm>>) dst(%arg5 : memref<8x256xf32, #tpu.memory_space<vmem>>)
        tpu.yield
      }) : () -> ()
      %broadcast_in_dim3A = arith.constant 0 : i32
      %broadcast_in_dim3A_178 = vector.broadcast %broadcast_in_dim3A : i32 to vector<16xi32>
      %mul3A_179 = arith.constant 8 : i32
      %mul3A_180 = arith.muli %add3A, %mul3A_179 : i32
      %add3A_181 = arith.constant 0 : i32
      %add3A_182 = arith.addi %mul3A_180, %add3A_181 : i32
      %add3A_183 = vector.broadcast %add3A_182 : i32 to vector<16xi32>
      %add3A_184 = arith.addi %broadcast_in_dim3A_178, %add3A_183 : vector<16xi32>
      %gather3A = tpu.vector_load_idx %arg5[%broadcast_in_dim3A_178, %add3A_184] : memref<8x256xf32, #tpu.memory_space<vmem>>[vector<16xi32>, vector<16xi32>], vector<16xf32>,
      %convert_element_type3A_185 = arith.fptosi %gather3A : vector<16xf32> to vector<16xi32>
      %reduce_max3A = arith.constant true
      %reduce_max3A_186 = vector.broadcast %reduce_max3A : i1 to vector<16xi1>
      %reduce_max3A_187 = arith.constant -2147483648 : i32
      %reduce_max3A_188 = vector.broadcast %reduce_max3A_187 : i32 to vector<16xi32>
      %reduce_max3A_189 = arith.xori %convert_element_type3A_185, %reduce_max3A_188 : vector<16xi32>
      %reduce_max3A_190 = tpu.scan <max>, %reduce_max3A_189 masked %reduce_max3A_186 : vector<16xi32>, vector<16xi1> -> vector<16xi32>
      %reduce_max3A_191 = arith.xori %reduce_max3A_190, %reduce_max3A_188 : vector<16xi32>
      %reduce_max3A_192 = vector.extract %reduce_max3A_191[15] : i32 from vector<16xi32>
      %sub3A = arith.constant 128 : i32
      %sub3A_193 = arith.subi %sub3A, %reduce_max3A_192 : i32
      %add3A_194 = arith.constant 1 : i32
      %add3A_195 = vector.broadcast %add3A_194 : i32 to vector<16xi32>
      %add3A_196 = arith.addi %broadcast_in_dim3A_178, %add3A_195 : vector<16xi32>
      %gather3A_197 = tpu.vector_load_idx %arg5[%add3A_196, %add3A_184] : memref<8x256xf32, #tpu.memory_space<vmem>>[vector<16xi32>, vector<16xi32>], vector<16xf32>,
      %add3A_198 = arith.constant 2 : i32
      %add3A_199 = vector.broadcast %add3A_198 : i32 to vector<16xi32>
      %add3A_200 = arith.addi %broadcast_in_dim3A_178, %add3A_199 : vector<16xi32>
      %gather3A_201 = tpu.vector_load_idx %arg5[%add3A_200, %add3A_184] : memref<8x256xf32, #tpu.memory_space<vmem>>[vector<16xi32>, vector<16xi32>], vector<16xf32>,
      %mul3A_202 = arith.constant 8 : i32
      %mul3A_203 = arith.muli %add3A, %mul3A_202 : i32
      %add3A_204 = arith.constant 1 : i32
      %add3A_205 = arith.addi %mul3A_203, %add3A_204 : i32
      %add3A_206 = vector.broadcast %add3A_205 : i32 to vector<16xi32>
      %add3A_207 = arith.addi %broadcast_in_dim3A_178, %add3A_206 : vector<16xi32>
      %gather3A_208 = tpu.vector_load_idx %arg5[%broadcast_in_dim3A_178, %add3A_207] : memref<8x256xf32, #tpu.memory_space<vmem>>[vector<16xi32>, vector<16xi32>], vector<16xf32>,
      %convert_element_type3A_209 = arith.fptosi %gather3A_208 : vector<16xf32> to vector<16xi32>
      %reduce_max3A_210 = arith.constant true
      %reduce_max3A_211 = vector.broadcast %reduce_max3A_210 : i1 to vector<16xi1>
      %reduce_max3A_212 = arith.constant -2147483648 : i32
      %reduce_max3A_213 = vector.broadcast %reduce_max3A_212 : i32 to vector<16xi32>
      %reduce_max3A_214 = arith.xori %convert_element_type3A_209, %reduce_max3A_213 : vector<16xi32>
      %reduce_max3A_215 = tpu.scan <max>, %reduce_max3A_214 masked %reduce_max3A_211 : vector<16xi32>, vector<16xi1> -> vector<16xi32>
      %reduce_max3A_216 = arith.xori %reduce_max3A_215, %reduce_max3A_213 : vector<16xi32>
      %reduce_max3A_217 = vector.extract %reduce_max3A_216[15] : i32 from vector<16xi32>
      %sub3A_218 = arith.constant 8448 : i32
      %sub3A_219 = arith.subi %sub3A_218, %reduce_max3A_217 : i32
      %add3A_220 = arith.constant 1 : i32
      %add3A_221 = vector.broadcast %add3A_220 : i32 to vector<16xi32>
      %add3A_222 = arith.addi %broadcast_in_dim3A_178, %add3A_221 : vector<16xi32>
      %gather3A_223 = tpu.vector_load_idx %arg5[%add3A_222, %add3A_207] : memref<8x256xf32, #tpu.memory_space<vmem>>[vector<16xi32>, vector<16xi32>], vector<16xf32>,
      %add3A_224 = arith.constant 2 : i32
      %add3A_225 = vector.broadcast %add3A_224 : i32 to vector<16xi32>
      %add3A_226 = arith.addi %broadcast_in_dim3A_178, %add3A_225 : vector<16xi32>
      %gather3A_227 = tpu.vector_load_idx %arg5[%add3A_226, %add3A_207] : memref<8x256xf32, #tpu.memory_space<vmem>>[vector<16xi32>, vector<16xi32>], vector<16xf32>,
      %mul3A_228 = arith.constant 8 : i32
      %mul3A_229 = arith.muli %add3A, %mul3A_228 : i32
      %add3A_230 = arith.constant 2 : i32
      %add3A_231 = arith.addi %mul3A_229, %add3A_230 : i32
      %add3A_232 = vector.broadcast %add3A_231 : i32 to vector<16xi32>
      %add3A_233 = arith.addi %broadcast_in_dim3A_178, %add3A_232 : vector<16xi32>
      %gather3A_234 = tpu.vector_load_idx %arg5[%broadcast_in_dim3A_178, %add3A_233] : memref<8x256xf32, #tpu.memory_space<vmem>>[vector<16xi32>, vector<16xi32>], vector<16xf32>,
      %convert_element_type3A_235 = arith.fptosi %gather3A_234 : vector<16xf32> to vector<16xi32>
      %reduce_max3A_236 = arith.constant true
      %reduce_max3A_237 = vector.broadcast %reduce_max3A_236 : i1 to vector<16xi1>
      %reduce_max3A_238 = arith.constant -2147483648 : i32
      %reduce_max3A_239 = vector.broadcast %reduce_max3A_238 : i32 to vector<16xi32>
      %reduce_max3A_240 = arith.xori %convert_element_type3A_235, %reduce_max3A_239 : vector<16xi32>
      %reduce_max3A_241 = tpu.scan <max>, %reduce_max3A_240 masked %reduce_max3A_237 : vector<16xi32>, vector<16xi1> -> vector<16xi32>
      %reduce_max3A_242 = arith.xori %reduce_max3A_241, %reduce_max3A_239 : vector<16xi32>
      %reduce_max3A_243 = vector.extract %reduce_max3A_242[15] : i32 from vector<16xi32>
      %sub3A_244 = arith.constant 16768 : i32
      %sub3A_245 = arith.subi %sub3A_244, %reduce_max3A_243 : i32
      %add3A_246 = arith.constant 1 : i32
      %add3A_247 = vector.broadcast %add3A_246 : i32 to vector<16xi32>
      %add3A_248 = arith.addi %broadcast_in_dim3A_178, %add3A_247 : vector<16xi32>
      %gather3A_249 = tpu.vector_load_idx %arg5[%add3A_248, %add3A_233] : memref<8x256xf32, #tpu.memory_space<vmem>>[vector<16xi32>, vector<16xi32>], vector<16xf32>,
      %add3A_250 = arith.constant 2 : i32
      %add3A_251 = vector.broadcast %add3A_250 : i32 to vector<16xi32>
      %add3A_252 = arith.addi %broadcast_in_dim3A_178, %add3A_251 : vector<16xi32>
      %gather3A_253 = tpu.vector_load_idx %arg5[%add3A_252, %add3A_233] : memref<8x256xf32, #tpu.memory_space<vmem>>[vector<16xi32>, vector<16xi32>], vector<16xf32>,
      %mul3A_254 = arith.constant 8 : i32
      %mul3A_255 = arith.muli %add3A, %mul3A_254 : i32
      %add3A_256 = arith.constant 3 : i32
      %add3A_257 = arith.addi %mul3A_255, %add3A_256 : i32
      %add3A_258 = vector.broadcast %add3A_257 : i32 to vector<16xi32>
      %add3A_259 = arith.addi %broadcast_in_dim3A_178, %add3A_258 : vector<16xi32>
      %gather3A_260 = tpu.vector_load_idx %arg5[%broadcast_in_dim3A_178, %add3A_259] : memref<8x256xf32, #tpu.memory_space<vmem>>[vector<16xi32>, vector<16xi32>], vector<16xf32>,
      %convert_element_type3A_261 = arith.fptosi %gather3A_260 : vector<16xf32> to vector<16xi32>
      %reduce_max3A_262 = arith.constant true
      %reduce_max3A_263 = vector.broadcast %reduce_max3A_262 : i1 to vector<16xi1>
      %reduce_max3A_264 = arith.constant -2147483648 : i32
      %reduce_max3A_265 = vector.broadcast %reduce_max3A_264 : i32 to vector<16xi32>
      %reduce_max3A_266 = arith.xori %convert_element_type3A_261, %reduce_max3A_265 : vector<16xi32>
      %reduce_max3A_267 = tpu.scan <max>, %reduce_max3A_266 masked %reduce_max3A_263 : vector<16xi32>, vector<16xi1> -> vector<16xi32>
      %reduce_max3A_268 = arith.xori %reduce_max3A_267, %reduce_max3A_265 : vector<16xi32>
      %reduce_max3A_269 = vector.extract %reduce_max3A_268[15] : i32 from vector<16xi32>
      %sub3A_270 = arith.constant 25088 : i32
      %sub3A_271 = arith.subi %sub3A_270, %reduce_max3A_269 : i32
      %add3A_272 = arith.constant 1 : i32
      %add3A_273 = vector.broadcast %add3A_272 : i32 to vector<16xi32>
      %add3A_274 = arith.addi %broadcast_in_dim3A_178, %add3A_273 : vector<16xi32>
      %gather3A_275 = tpu.vector_load_idx %arg5[%add3A_274, %add3A_259] : memref<8x256xf32, #tpu.memory_space<vmem>>[vector<16xi32>, vector<16xi32>], vector<16xf32>,
      %add3A_276 = arith.constant 2 : i32
      %add3A_277 = vector.broadcast %add3A_276 : i32 to vector<16xi32>
      %add3A_278 = arith.addi %broadcast_in_dim3A_178, %add3A_277 : vector<16xi32>
      %gather3A_279 = tpu.vector_load_idx %arg5[%add3A_278, %add3A_259] : memref<8x256xf32, #tpu.memory_space<vmem>>[vector<16xi32>, vector<16xi32>], vector<16xf32>,
      %mul3A_280 = arith.constant 8 : i32
      %mul3A_281 = arith.muli %add3A, %mul3A_280 : i32
      %add3A_282 = arith.constant 4 : i32
      %add3A_283 = arith.addi %mul3A_281, %add3A_282 : i32
      %add3A_284 = vector.broadcast %add3A_283 : i32 to vector<16xi32>
      %add3A_285 = arith.addi %broadcast_in_dim3A_178, %add3A_284 : vector<16xi32>
      %gather3A_286 = tpu.vector_load_idx %arg5[%broadcast_in_dim3A_178, %add3A_285] : memref<8x256xf32, #tpu.memory_space<vmem>>[vector<16xi32>, vector<16xi32>], vector<16xf32>,
      %convert_element_type3A_287 = arith.fptosi %gather3A_286 : vector<16xf32> to vector<16xi32>
      %reduce_max3A_288 = arith.constant true
      %reduce_max3A_289 = vector.broadcast %reduce_max3A_288 : i1 to vector<16xi1>
      %reduce_max3A_290 = arith.constant -2147483648 : i32
      %reduce_max3A_291 = vector.broadcast %reduce_max3A_290 : i32 to vector<16xi32>
      %reduce_max3A_292 = arith.xori %convert_element_type3A_287, %reduce_max3A_291 : vector<16xi32>
      %reduce_max3A_293 = tpu.scan <max>, %reduce_max3A_292 masked %reduce_max3A_289 : vector<16xi32>, vector<16xi1> -> vector<16xi32>
      %reduce_max3A_294 = arith.xori %reduce_max3A_293, %reduce_max3A_291 : vector<16xi32>
      %reduce_max3A_295 = vector.extract %reduce_max3A_294[15] : i32 from vector<16xi32>
      %sub3A_296 = arith.constant 33408 : i32
      %sub3A_297 = arith.subi %sub3A_296, %reduce_max3A_295 : i32
      %add3A_298 = arith.constant 1 : i32
      %add3A_299 = vector.broadcast %add3A_298 : i32 to vector<16xi32>
      %add3A_300 = arith.addi %broadcast_in_dim3A_178, %add3A_299 : vector<16xi32>
      %gather3A_301 = tpu.vector_load_idx %arg5[%add3A_300, %add3A_285] : memref<8x256xf32, #tpu.memory_space<vmem>>[vector<16xi32>, vector<16xi32>], vector<16xf32>,
      %add3A_302 = arith.constant 2 : i32
      %add3A_303 = vector.broadcast %add3A_302 : i32 to vector<16xi32>
      %add3A_304 = arith.addi %broadcast_in_dim3A_178, %add3A_303 : vector<16xi32>
      %gather3A_305 = tpu.vector_load_idx %arg5[%add3A_304, %add3A_285] : memref<8x256xf32, #tpu.memory_space<vmem>>[vector<16xi32>, vector<16xi32>], vector<16xf32>,
      %mul3A_306 = arith.constant 8 : i32
      %mul3A_307 = arith.muli %add3A, %mul3A_306 : i32
      %add3A_308 = arith.constant 5 : i32
      %add3A_309 = arith.addi %mul3A_307, %add3A_308 : i32
      %add3A_310 = vector.broadcast %add3A_309 : i32 to vector<16xi32>
      %add3A_311 = arith.addi %broadcast_in_dim3A_178, %add3A_310 : vector<16xi32>
      %gather3A_312 = tpu.vector_load_idx %arg5[%broadcast_in_dim3A_178, %add3A_311] : memref<8x256xf32, #tpu.memory_space<vmem>>[vector<16xi32>, vector<16xi32>], vector<16xf32>,
      %convert_element_type3A_313 = arith.fptosi %gather3A_312 : vector<16xf32> to vector<16xi32>
      %reduce_max3A_314 = arith.constant true
      %reduce_max3A_315 = vector.broadcast %reduce_max3A_314 : i1 to vector<16xi1>
      %reduce_max3A_316 = arith.constant -2147483648 : i32
      %reduce_max3A_317 = vector.broadcast %reduce_max3A_316 : i32 to vector<16xi32>
      %reduce_max3A_318 = arith.xori %convert_element_type3A_313, %reduce_max3A_317 : vector<16xi32>
      %reduce_max3A_319 = tpu.scan <max>, %reduce_max3A_318 masked %reduce_max3A_315 : vector<16xi32>, vector<16xi1> -> vector<16xi32>
      %reduce_max3A_320 = arith.xori %reduce_max3A_319, %reduce_max3A_317 : vector<16xi32>
      %reduce_max3A_321 = vector.extract %reduce_max3A_320[15] : i32 from vector<16xi32>
      %sub3A_322 = arith.constant 41728 : i32
      %sub3A_323 = arith.subi %sub3A_322, %reduce_max3A_321 : i32
      %add3A_324 = arith.constant 1 : i32
      %add3A_325 = vector.broadcast %add3A_324 : i32 to vector<16xi32>
      %add3A_326 = arith.addi %broadcast_in_dim3A_178, %add3A_325 : vector<16xi32>
      %gather3A_327 = tpu.vector_load_idx %arg5[%add3A_326, %add3A_311] : memref<8x256xf32, #tpu.memory_space<vmem>>[vector<16xi32>, vector<16xi32>], vector<16xf32>,
      %add3A_328 = arith.constant 2 : i32
      %add3A_329 = vector.broadcast %add3A_328 : i32 to vector<16xi32>
      %add3A_330 = arith.addi %broadcast_in_dim3A_178, %add3A_329 : vector<16xi32>
      %gather3A_331 = tpu.vector_load_idx %arg5[%add3A_330, %add3A_311] : memref<8x256xf32, #tpu.memory_space<vmem>>[vector<16xi32>, vector<16xi32>], vector<16xf32>,
      %mul3A_332 = arith.constant 8 : i32
      %mul3A_333 = arith.muli %add3A, %mul3A_332 : i32
      %add3A_334 = arith.constant 6 : i32
      %add3A_335 = arith.addi %mul3A_333, %add3A_334 : i32
      %add3A_336 = vector.broadcast %add3A_335 : i32 to vector<16xi32>
      %add3A_337 = arith.addi %broadcast_in_dim3A_178, %add3A_336 : vector<16xi32>
      %gather3A_338 = tpu.vector_load_idx %arg5[%broadcast_in_dim3A_178, %add3A_337] : memref<8x256xf32, #tpu.memory_space<vmem>>[vector<16xi32>, vector<16xi32>], vector<16xf32>,
      %convert_element_type3A_339 = arith.fptosi %gather3A_338 : vector<16xf32> to vector<16xi32>
      %reduce_max3A_340 = arith.constant true
      %reduce_max3A_341 = vector.broadcast %reduce_max3A_340 : i1 to vector<16xi1>
      %reduce_max3A_342 = arith.constant -2147483648 : i32
      %reduce_max3A_343 = vector.broadcast %reduce_max3A_342 : i32 to vector<16xi32>
      %reduce_max3A_344 = arith.xori %convert_element_type3A_339, %reduce_max3A_343 : vector<16xi32>
      %reduce_max3A_345 = tpu.scan <max>, %reduce_max3A_344 masked %reduce_max3A_341 : vector<16xi32>, vector<16xi1> -> vector<16xi32>
      %reduce_max3A_346 = arith.xori %reduce_max3A_345, %reduce_max3A_343 : vector<16xi32>
      %reduce_max3A_347 = vector.extract %reduce_max3A_346[15] : i32 from vector<16xi32>
      %sub3A_348 = arith.constant 50048 : i32
      %sub3A_349 = arith.subi %sub3A_348, %reduce_max3A_347 : i32
      %add3A_350 = arith.constant 1 : i32
      %add3A_351 = vector.broadcast %add3A_350 : i32 to vector<16xi32>
      %add3A_352 = arith.addi %broadcast_in_dim3A_178, %add3A_351 : vector<16xi32>
      %gather3A_353 = tpu.vector_load_idx %arg5[%add3A_352, %add3A_337] : memref<8x256xf32, #tpu.memory_space<vmem>>[vector<16xi32>, vector<16xi32>], vector<16xf32>,
      %add3A_354 = arith.constant 2 : i32
      %add3A_355 = vector.broadcast %add3A_354 : i32 to vector<16xi32>
      %add3A_356 = arith.addi %broadcast_in_dim3A_178, %add3A_355 : vector<16xi32>
      %gather3A_357 = tpu.vector_load_idx %arg5[%add3A_356, %add3A_337] : memref<8x256xf32, #tpu.memory_space<vmem>>[vector<16xi32>, vector<16xi32>], vector<16xf32>,
      %mul3A_358 = arith.constant 8 : i32
      %mul3A_359 = arith.muli %add3A, %mul3A_358 : i32
      %add3A_360 = arith.constant 7 : i32
      %add3A_361 = arith.addi %mul3A_359, %add3A_360 : i32
      %add3A_362 = vector.broadcast %add3A_361 : i32 to vector<16xi32>
      %add3A_363 = arith.addi %broadcast_in_dim3A_178, %add3A_362 : vector<16xi32>
      %gather3A_364 = tpu.vector_load_idx %arg5[%broadcast_in_dim3A_178, %add3A_363] : memref<8x256xf32, #tpu.memory_space<vmem>>[vector<16xi32>, vector<16xi32>], vector<16xf32>,
      %convert_element_type3A_365 = arith.fptosi %gather3A_364 : vector<16xf32> to vector<16xi32>
      %reduce_max3A_366 = arith.constant true
      %reduce_max3A_367 = vector.broadcast %reduce_max3A_366 : i1 to vector<16xi1>
      %reduce_max3A_368 = arith.constant -2147483648 : i32
      %reduce_max3A_369 = vector.broadcast %reduce_max3A_368 : i32 to vector<16xi32>
      %reduce_max3A_370 = arith.xori %convert_element_type3A_365, %reduce_max3A_369 : vector<16xi32>
      %reduce_max3A_371 = tpu.scan <max>, %reduce_max3A_370 masked %reduce_max3A_367 : vector<16xi32>, vector<16xi1> -> vector<16xi32>
      %reduce_max3A_372 = arith.xori %reduce_max3A_371, %reduce_max3A_369 : vector<16xi32>
      %reduce_max3A_373 = vector.extract %reduce_max3A_372[15] : i32 from vector<16xi32>
      %sub3A_374 = arith.constant 58368 : i32
      %sub3A_375 = arith.subi %sub3A_374, %reduce_max3A_373 : i32
      %add3A_376 = arith.constant 1 : i32
      %add3A_377 = vector.broadcast %add3A_376 : i32 to vector<16xi32>
      %add3A_378 = arith.addi %broadcast_in_dim3A_178, %add3A_377 : vector<16xi32>
      %gather3A_379 = tpu.vector_load_idx %arg5[%add3A_378, %add3A_363] : memref<8x256xf32, #tpu.memory_space<vmem>>[vector<16xi32>, vector<16xi32>], vector<16xf32>,
      %add3A_380 = arith.constant 2 : i32
      %add3A_381 = vector.broadcast %add3A_380 : i32 to vector<16xi32>
      %add3A_382 = arith.addi %broadcast_in_dim3A_178, %add3A_381 : vector<16xi32>
      %gather3A_383 = tpu.vector_load_idx %arg5[%add3A_382, %add3A_363] : memref<8x256xf32, #tpu.memory_space<vmem>>[vector<16xi32>, vector<16xi32>], vector<16xf32>,
      %dma_wait3A = arith.constant 0 : i32
      %dma_wait3A_384 = arith.constant 0 : i32
      %dma_wait3A_385 = tpu.memref_slice %arg6[%dma_wait3A_384] : memref<66560xf32, #tpu.memory_space<vmem>> -> memref<4224xf32, #tpu.memory_space<vmem>>
      %dma_wait3A_386 = arith.constant 1920 : i32
      %dma_wait3A_387 = tpu.memref_slice %arg3[%add3A, %dma_wait3A, %dma_wait3A_386] : memref<24x8x10240xf32, #tpu.memory_space<hbm>> -> memref<1x1x4224xf32, #tpu.memory_space<hbm>>
      %dma_wait3A_388 = tpu.memref_squeeze %dma_wait3A_387 : memref<1x1x4224xf32, #tpu.memory_space<hbm>> -> memref<4224xf32, #tpu.memory_space<hbm>>
      %dma_wait3A_389 = arith.constant 0 : i32
      %dma_wait3A_390 = tpu.memref_slice %arg6[%dma_wait3A_389] : memref<66560xf32, #tpu.memory_space<vmem>> -> memref<4224xf32, #tpu.memory_space<vmem>>
      %dma_wait3A_391 = arith.constant 1920 : i32
      %dma_wait3A_392 = tpu.memref_slice %arg3[%add3A, %dma_wait3A, %dma_wait3A_391] : memref<24x8x10240xf32, #tpu.memory_space<hbm>> -> memref<1x1x4224xf32, #tpu.memory_space<hbm>>
      %dma_wait3A_393 = tpu.memref_squeeze %dma_wait3A_392 : memref<1x1x4224xf32, #tpu.memory_space<hbm>> -> memref<4224xf32, #tpu.memory_space<hbm>>
      tpu.wait_dma2 semaphore(%arg8 : memref<!tpu.dma_semaphore, #tpu.memory_space<semaphore_mem>>) src(%dma_wait3A_393 : memref<4224xf32, #tpu.memory_space<hbm>>) dst(%dma_wait3A_390 : memref<4224xf32, #tpu.memory_space<vmem>>)
      %dma_wait3A_394 = arith.constant 1 : i32
      %dma_wait3A_395 = arith.constant 8320 : i32
      %dma_wait3A_396 = tpu.memref_slice %arg6[%dma_wait3A_395] : memref<66560xf32, #tpu.memory_space<vmem>> -> memref<4224xf32, #tpu.memory_space<vmem>>
      %dma_wait3A_397 = arith.constant 1920 : i32
      %dma_wait3A_398 = tpu.memref_slice %arg3[%add3A, %dma_wait3A_394, %dma_wait3A_397] : memref<24x8x10240xf32, #tpu.memory_space<hbm>> -> memref<1x1x4224xf32, #tpu.memory_space<hbm>>
      %dma_wait3A_399 = tpu.memref_squeeze %dma_wait3A_398 : memref<1x1x4224xf32, #tpu.memory_space<hbm>> -> memref<4224xf32, #tpu.memory_space<hbm>>
      %dma_wait3A_400 = arith.constant 8320 : i32
      %dma_wait3A_401 = tpu.memref_slice %arg6[%dma_wait3A_400] : memref<66560xf32, #tpu.memory_space<vmem>> -> memref<4224xf32, #tpu.memory_space<vmem>>
      %dma_wait3A_402 = arith.constant 1920 : i32
      %dma_wait3A_403 = tpu.memref_slice %arg3[%add3A, %dma_wait3A_394, %dma_wait3A_402] : memref<24x8x10240xf32, #tpu.memory_space<hbm>> -> memref<1x1x4224xf32, #tpu.memory_space<hbm>>
      %dma_wait3A_404 = tpu.memref_squeeze %dma_wait3A_403 : memref<1x1x4224xf32, #tpu.memory_space<hbm>> -> memref<4224xf32, #tpu.memory_space<hbm>>
      tpu.wait_dma2 semaphore(%arg8 : memref<!tpu.dma_semaphore, #tpu.memory_space<semaphore_mem>>) src(%dma_wait3A_404 : memref<4224xf32, #tpu.memory_space<hbm>>) dst(%dma_wait3A_401 : memref<4224xf32, #tpu.memory_space<vmem>>)
      %dma_wait3A_405 = arith.constant 2 : i32
      %dma_wait3A_406 = arith.constant 16640 : i32
      %dma_wait3A_407 = tpu.memref_slice %arg6[%dma_wait3A_406] : memref<66560xf32, #tpu.memory_space<vmem>> -> memref<4224xf32, #tpu.memory_space<vmem>>
      %dma_wait3A_408 = arith.constant 1920 : i32
      %dma_wait3A_409 = tpu.memref_slice %arg3[%add3A, %dma_wait3A_405, %dma_wait3A_408] : memref<24x8x10240xf32, #tpu.memory_space<hbm>> -> memref<1x1x4224xf32, #tpu.memory_space<hbm>>
      %dma_wait3A_410 = tpu.memref_squeeze %dma_wait3A_409 : memref<1x1x4224xf32, #tpu.memory_space<hbm>> -> memref<4224xf32, #tpu.memory_space<hbm>>
      %dma_wait3A_411 = arith.constant 16640 : i32
      %dma_wait3A_412 = tpu.memref_slice %arg6[%dma_wait3A_411] : memref<66560xf32, #tpu.memory_space<vmem>> -> memref<4224xf32, #tpu.memory_space<vmem>>
      %dma_wait3A_413 = arith.constant 1920 : i32
      %dma_wait3A_414 = tpu.memref_slice %arg3[%add3A, %dma_wait3A_405, %dma_wait3A_413] : memref<24x8x10240xf32, #tpu.memory_space<hbm>> -> memref<1x1x4224xf32, #tpu.memory_space<hbm>>
      %dma_wait3A_415 = tpu.memref_squeeze %dma_wait3A_414 : memref<1x1x4224xf32, #tpu.memory_space<hbm>> -> memref<4224xf32, #tpu.memory_space<hbm>>
      tpu.wait_dma2 semaphore(%arg8 : memref<!tpu.dma_semaphore, #tpu.memory_space<semaphore_mem>>) src(%dma_wait3A_415 : memref<4224xf32, #tpu.memory_space<hbm>>) dst(%dma_wait3A_412 : memref<4224xf32, #tpu.memory_space<vmem>>)
      %dma_wait3A_416 = arith.constant 3 : i32
      %dma_wait3A_417 = arith.constant 24960 : i32
      %dma_wait3A_418 = tpu.memref_slice %arg6[%dma_wait3A_417] : memref<66560xf32, #tpu.memory_space<vmem>> -> memref<4224xf32, #tpu.memory_space<vmem>>
      %dma_wait3A_419 = arith.constant 1920 : i32
      %dma_wait3A_420 = tpu.memref_slice %arg3[%add3A, %dma_wait3A_416, %dma_wait3A_419] : memref<24x8x10240xf32, #tpu.memory_space<hbm>> -> memref<1x1x4224xf32, #tpu.memory_space<hbm>>
      %dma_wait3A_421 = tpu.memref_squeeze %dma_wait3A_420 : memref<1x1x4224xf32, #tpu.memory_space<hbm>> -> memref<4224xf32, #tpu.memory_space<hbm>>
      %dma_wait3A_422 = arith.constant 24960 : i32
      %dma_wait3A_423 = tpu.memref_slice %arg6[%dma_wait3A_422] : memref<66560xf32, #tpu.memory_space<vmem>> -> memref<4224xf32, #tpu.memory_space<vmem>>
      %dma_wait3A_424 = arith.constant 1920 : i32
      %dma_wait3A_425 = tpu.memref_slice %arg3[%add3A, %dma_wait3A_416, %dma_wait3A_424] : memref<24x8x10240xf32, #tpu.memory_space<hbm>> -> memref<1x1x4224xf32, #tpu.memory_space<hbm>>
      %dma_wait3A_426 = tpu.memref_squeeze %dma_wait3A_425 : memref<1x1x4224xf32, #tpu.memory_space<hbm>> -> memref<4224xf32, #tpu.memory_space<hbm>>
      tpu.wait_dma2 semaphore(%arg8 : memref<!tpu.dma_semaphore, #tpu.memory_space<semaphore_mem>>) src(%dma_wait3A_426 : memref<4224xf32, #tpu.memory_space<hbm>>) dst(%dma_wait3A_423 : memref<4224xf32, #tpu.memory_space<vmem>>)
      %dma_wait3A_427 = arith.constant 4 : i32
      %dma_wait3A_428 = arith.constant 33280 : i32
      %dma_wait3A_429 = tpu.memref_slice %arg6[%dma_wait3A_428] : memref<66560xf32, #tpu.memory_space<vmem>> -> memref<4224xf32, #tpu.memory_space<vmem>>
      %dma_wait3A_430 = arith.constant 1920 : i32
      %dma_wait3A_431 = tpu.memref_slice %arg3[%add3A, %dma_wait3A_427, %dma_wait3A_430] : memref<24x8x10240xf32, #tpu.memory_space<hbm>> -> memref<1x1x4224xf32, #tpu.memory_space<hbm>>
      %dma_wait3A_432 = tpu.memref_squeeze %dma_wait3A_431 : memref<1x1x4224xf32, #tpu.memory_space<hbm>> -> memref<4224xf32, #tpu.memory_space<hbm>>
      %dma_wait3A_433 = arith.constant 33280 : i32
      %dma_wait3A_434 = tpu.memref_slice %arg6[%dma_wait3A_433] : memref<66560xf32, #tpu.memory_space<vmem>> -> memref<4224xf32, #tpu.memory_space<vmem>>
      %dma_wait3A_435 = arith.constant 1920 : i32
      %dma_wait3A_436 = tpu.memref_slice %arg3[%add3A, %dma_wait3A_427, %dma_wait3A_435] : memref<24x8x10240xf32, #tpu.memory_space<hbm>> -> memref<1x1x4224xf32, #tpu.memory_space<hbm>>
      %dma_wait3A_437 = tpu.memref_squeeze %dma_wait3A_436 : memref<1x1x4224xf32, #tpu.memory_space<hbm>> -> memref<4224xf32, #tpu.memory_space<hbm>>
      tpu.wait_dma2 semaphore(%arg8 : memref<!tpu.dma_semaphore, #tpu.memory_space<semaphore_mem>>) src(%dma_wait3A_437 : memref<4224xf32, #tpu.memory_space<hbm>>) dst(%dma_wait3A_434 : memref<4224xf32, #tpu.memory_space<vmem>>)
      %dma_wait3A_438 = arith.constant 5 : i32
      %dma_wait3A_439 = arith.constant 41600 : i32
      %dma_wait3A_440 = tpu.memref_slice %arg6[%dma_wait3A_439] : memref<66560xf32, #tpu.memory_space<vmem>> -> memref<4224xf32, #tpu.memory_space<vmem>>
      %dma_wait3A_441 = arith.constant 1920 : i32
      %dma_wait3A_442 = tpu.memref_slice %arg3[%add3A, %dma_wait3A_438, %dma_wait3A_441] : memref<24x8x10240xf32, #tpu.memory_space<hbm>> -> memref<1x1x4224xf32, #tpu.memory_space<hbm>>
      %dma_wait3A_443 = tpu.memref_squeeze %dma_wait3A_442 : memref<1x1x4224xf32, #tpu.memory_space<hbm>> -> memref<4224xf32, #tpu.memory_space<hbm>>
      %dma_wait3A_444 = arith.constant 41600 : i32
      %dma_wait3A_445 = tpu.memref_slice %arg6[%dma_wait3A_444] : memref<66560xf32, #tpu.memory_space<vmem>> -> memref<4224xf32, #tpu.memory_space<vmem>>
      %dma_wait3A_446 = arith.constant 1920 : i32
      %dma_wait3A_447 = tpu.memref_slice %arg3[%add3A, %dma_wait3A_438, %dma_wait3A_446] : memref<24x8x10240xf32, #tpu.memory_space<hbm>> -> memref<1x1x4224xf32, #tpu.memory_space<hbm>>
      %dma_wait3A_448 = tpu.memref_squeeze %dma_wait3A_447 : memref<1x1x4224xf32, #tpu.memory_space<hbm>> -> memref<4224xf32, #tpu.memory_space<hbm>>
      tpu.wait_dma2 semaphore(%arg8 : memref<!tpu.dma_semaphore, #tpu.memory_space<semaphore_mem>>) src(%dma_wait3A_448 : memref<4224xf32, #tpu.memory_space<hbm>>) dst(%dma_wait3A_445 : memref<4224xf32, #tpu.memory_space<vmem>>)
      %dma_wait3A_449 = arith.constant 6 : i32
      %dma_wait3A_450 = arith.constant 49920 : i32
      %dma_wait3A_451 = tpu.memref_slice %arg6[%dma_wait3A_450] : memref<66560xf32, #tpu.memory_space<vmem>> -> memref<4224xf32, #tpu.memory_space<vmem>>
      %dma_wait3A_452 = arith.constant 1920 : i32
      %dma_wait3A_453 = tpu.memref_slice %arg3[%add3A, %dma_wait3A_449, %dma_wait3A_452] : memref<24x8x10240xf32, #tpu.memory_space<hbm>> -> memref<1x1x4224xf32, #tpu.memory_space<hbm>>
      %dma_wait3A_454 = tpu.memref_squeeze %dma_wait3A_453 : memref<1x1x4224xf32, #tpu.memory_space<hbm>> -> memref<4224xf32, #tpu.memory_space<hbm>>
      %dma_wait3A_455 = arith.constant 49920 : i32
      %dma_wait3A_456 = tpu.memref_slice %arg6[%dma_wait3A_455] : memref<66560xf32, #tpu.memory_space<vmem>> -> memref<4224xf32, #tpu.memory_space<vmem>>
      %dma_wait3A_457 = arith.constant 1920 : i32
      %dma_wait3A_458 = tpu.memref_slice %arg3[%add3A, %dma_wait3A_449, %dma_wait3A_457] : memref<24x8x10240xf32, #tpu.memory_space<hbm>> -> memref<1x1x4224xf32, #tpu.memory_space<hbm>>
      %dma_wait3A_459 = tpu.memref_squeeze %dma_wait3A_458 : memref<1x1x4224xf32, #tpu.memory_space<hbm>> -> memref<4224xf32, #tpu.memory_space<hbm>>
      tpu.wait_dma2 semaphore(%arg8 : memref<!tpu.dma_semaphore, #tpu.memory_space<semaphore_mem>>) src(%dma_wait3A_459 : memref<4224xf32, #tpu.memory_space<hbm>>) dst(%dma_wait3A_456 : memref<4224xf32, #tpu.memory_space<vmem>>)
      %dma_wait3A_460 = arith.constant 7 : i32
      %dma_wait3A_461 = arith.constant 58240 : i32
      %dma_wait3A_462 = tpu.memref_slice %arg6[%dma_wait3A_461] : memref<66560xf32, #tpu.memory_space<vmem>> -> memref<4224xf32, #tpu.memory_space<vmem>>
      %dma_wait3A_463 = arith.constant 1920 : i32
      %dma_wait3A_464 = tpu.memref_slice %arg3[%add3A, %dma_wait3A_460, %dma_wait3A_463] : memref<24x8x10240xf32, #tpu.memory_space<hbm>> -> memref<1x1x4224xf32, #tpu.memory_space<hbm>>
      %dma_wait3A_465 = tpu.memref_squeeze %dma_wait3A_464 : memref<1x1x4224xf32, #tpu.memory_space<hbm>> -> memref<4224xf32, #tpu.memory_space<hbm>>
      %dma_wait3A_466 = arith.constant 58240 : i32
      %dma_wait3A_467 = tpu.memref_slice %arg6[%dma_wait3A_466] : memref<66560xf32, #tpu.memory_space<vmem>> -> memref<4224xf32, #tpu.memory_space<vmem>>
      %dma_wait3A_468 = arith.constant 1920 : i32
      %dma_wait3A_469 = tpu.memref_slice %arg3[%add3A, %dma_wait3A_460, %dma_wait3A_468] : memref<24x8x10240xf32, #tpu.memory_space<hbm>> -> memref<1x1x4224xf32, #tpu.memory_space<hbm>>
      %dma_wait3A_470 = tpu.memref_squeeze %dma_wait3A_469 : memref<1x1x4224xf32, #tpu.memory_space<hbm>> -> memref<4224xf32, #tpu.memory_space<hbm>>
      tpu.wait_dma2 semaphore(%arg8 : memref<!tpu.dma_semaphore, #tpu.memory_space<semaphore_mem>>) src(%dma_wait3A_470 : memref<4224xf32, #tpu.memory_space<hbm>>) dst(%dma_wait3A_467 : memref<4224xf32, #tpu.memory_space<vmem>>)
      %parallel_loop3A = arith.constant 0 : i32
      %parallel_loop3A_471 = arith.constant 256 : i32
      %parallel_loop3A_472 = arith.constant 1 : i32
      scf.for %parallel_loop3A_564 = %parallel_loop3A to %parallel_loop3A_471 step %parallel_loop3A_472  : i32 {
        %parallel_loop3A_565 = arith.constant 16 : i32
        %parallel_loop3A_566 = arith.muli %parallel_loop3A_564, %parallel_loop3A_565 : i32
        %parallel_loop3A_567 = arith.constant 0.000000e+00 : f32
        %parallel_loop3A_568 = vector.broadcast %parallel_loop3A_567 : f32 to vector<16xf32>
        %parallel_loop3A_569 = arith.addi %parallel_loop3A_566, %sub3A_193 : i32
        %parallel_loop3A_570 = arith.index_cast %parallel_loop3A_569 : i32 to index
        %parallel_loop3A_571 = tpu.vector_load %arg6[%parallel_loop3A_570] {strides = array<i32>} : memref<66560xf32, #tpu.memory_space<vmem>>, vector<16xf32>,
        %parallel_loop3A_572 = arith.addi %parallel_loop3A_566, %sub3A_193 : i32
        %parallel_loop3A_573 = arith.constant 1 : i32
        %parallel_loop3A_574 = arith.subi %parallel_loop3A_572, %parallel_loop3A_573 : i32
        %parallel_loop3A_575 = arith.index_cast %parallel_loop3A_574 : i32 to index
        %parallel_loop3A_576 = tpu.vector_load %arg6[%parallel_loop3A_575] {strides = array<i32>} : memref<66560xf32, #tpu.memory_space<vmem>>, vector<16xf32>,
        %parallel_loop3A_577 = arith.mulf %parallel_loop3A_571, %gather3A_201 : vector<16xf32>
        %parallel_loop3A_578 = arith.addf %parallel_loop3A_568, %parallel_loop3A_577 : vector<16xf32>
        %parallel_loop3A_579 = arith.mulf %parallel_loop3A_576, %gather3A_197 : vector<16xf32>
        %parallel_loop3A_580 = arith.addf %parallel_loop3A_578, %parallel_loop3A_579 : vector<16xf32>
        %parallel_loop3A_581 = arith.addi %parallel_loop3A_566, %sub3A_219 : i32
        %parallel_loop3A_582 = arith.index_cast %parallel_loop3A_581 : i32 to index
        %parallel_loop3A_583 = tpu.vector_load %arg6[%parallel_loop3A_582] {strides = array<i32>} : memref<66560xf32, #tpu.memory_space<vmem>>, vector<16xf32>,
        %parallel_loop3A_584 = arith.addi %parallel_loop3A_566, %sub3A_219 : i32
        %parallel_loop3A_585 = arith.constant 1 : i32
        %parallel_loop3A_586 = arith.subi %parallel_loop3A_584, %parallel_loop3A_585 : i32
        %parallel_loop3A_587 = arith.index_cast %parallel_loop3A_586 : i32 to index
        %parallel_loop3A_588 = tpu.vector_load %arg6[%parallel_loop3A_587] {strides = array<i32>} : memref<66560xf32, #tpu.memory_space<vmem>>, vector<16xf32>,
        %parallel_loop3A_589 = arith.mulf %parallel_loop3A_583, %gather3A_227 : vector<16xf32>
        %parallel_loop3A_590 = arith.addf %parallel_loop3A_580, %parallel_loop3A_589 : vector<16xf32>
        %parallel_loop3A_591 = arith.mulf %parallel_loop3A_588, %gather3A_223 : vector<16xf32>
        %parallel_loop3A_592 = arith.addf %parallel_loop3A_590, %parallel_loop3A_591 : vector<16xf32>
        %parallel_loop3A_593 = arith.addi %parallel_loop3A_566, %sub3A_245 : i32
        %parallel_loop3A_594 = arith.index_cast %parallel_loop3A_593 : i32 to index
        %parallel_loop3A_595 = tpu.vector_load %arg6[%parallel_loop3A_594] {strides = array<i32>} : memref<66560xf32, #tpu.memory_space<vmem>>, vector<16xf32>,
        %parallel_loop3A_596 = arith.addi %parallel_loop3A_566, %sub3A_245 : i32
        %parallel_loop3A_597 = arith.constant 1 : i32
        %parallel_loop3A_598 = arith.subi %parallel_loop3A_596, %parallel_loop3A_597 : i32
        %parallel_loop3A_599 = arith.index_cast %parallel_loop3A_598 : i32 to index
        %parallel_loop3A_600 = tpu.vector_load %arg6[%parallel_loop3A_599] {strides = array<i32>} : memref<66560xf32, #tpu.memory_space<vmem>>, vector<16xf32>,
        %parallel_loop3A_601 = arith.mulf %parallel_loop3A_595, %gather3A_253 : vector<16xf32>
        %parallel_loop3A_602 = arith.addf %parallel_loop3A_592, %parallel_loop3A_601 : vector<16xf32>
        %parallel_loop3A_603 = arith.mulf %parallel_loop3A_600, %gather3A_249 : vector<16xf32>
        %parallel_loop3A_604 = arith.addf %parallel_loop3A_602, %parallel_loop3A_603 : vector<16xf32>
        %parallel_loop3A_605 = arith.addi %parallel_loop3A_566, %sub3A_271 : i32
        %parallel_loop3A_606 = arith.index_cast %parallel_loop3A_605 : i32 to index
        %parallel_loop3A_607 = tpu.vector_load %arg6[%parallel_loop3A_606] {strides = array<i32>} : memref<66560xf32, #tpu.memory_space<vmem>>, vector<16xf32>,
        %parallel_loop3A_608 = arith.addi %parallel_loop3A_566, %sub3A_271 : i32
        %parallel_loop3A_609 = arith.constant 1 : i32
        %parallel_loop3A_610 = arith.subi %parallel_loop3A_608, %parallel_loop3A_609 : i32
        %parallel_loop3A_611 = arith.index_cast %parallel_loop3A_610 : i32 to index
        %parallel_loop3A_612 = tpu.vector_load %arg6[%parallel_loop3A_611] {strides = array<i32>} : memref<66560xf32, #tpu.memory_space<vmem>>, vector<16xf32>,
        %parallel_loop3A_613 = arith.mulf %parallel_loop3A_607, %gather3A_279 : vector<16xf32>
        %parallel_loop3A_614 = arith.addf %parallel_loop3A_604, %parallel_loop3A_613 : vector<16xf32>
        %parallel_loop3A_615 = arith.mulf %parallel_loop3A_612, %gather3A_275 : vector<16xf32>
        %parallel_loop3A_616 = arith.addf %parallel_loop3A_614, %parallel_loop3A_615 : vector<16xf32>
        %parallel_loop3A_617 = arith.addi %parallel_loop3A_566, %sub3A_297 : i32
        %parallel_loop3A_618 = arith.index_cast %parallel_loop3A_617 : i32 to index
        %parallel_loop3A_619 = tpu.vector_load %arg6[%parallel_loop3A_618] {strides = array<i32>} : memref<66560xf32, #tpu.memory_space<vmem>>, vector<16xf32>,
        %parallel_loop3A_620 = arith.addi %parallel_loop3A_566, %sub3A_297 : i32
        %parallel_loop3A_621 = arith.constant 1 : i32
        %parallel_loop3A_622 = arith.subi %parallel_loop3A_620, %parallel_loop3A_621 : i32
        %parallel_loop3A_623 = arith.index_cast %parallel_loop3A_622 : i32 to index
        %parallel_loop3A_624 = tpu.vector_load %arg6[%parallel_loop3A_623] {strides = array<i32>} : memref<66560xf32, #tpu.memory_space<vmem>>, vector<16xf32>,
        %parallel_loop3A_625 = arith.mulf %parallel_loop3A_619, %gather3A_305 : vector<16xf32>
        %parallel_loop3A_626 = arith.addf %parallel_loop3A_616, %parallel_loop3A_625 : vector<16xf32>
        %parallel_loop3A_627 = arith.mulf %parallel_loop3A_624, %gather3A_301 : vector<16xf32>
        %parallel_loop3A_628 = arith.addf %parallel_loop3A_626, %parallel_loop3A_627 : vector<16xf32>
        %parallel_loop3A_629 = arith.addi %parallel_loop3A_566, %sub3A_323 : i32
        %parallel_loop3A_630 = arith.index_cast %parallel_loop3A_629 : i32 to index
        %parallel_loop3A_631 = tpu.vector_load %arg6[%parallel_loop3A_630] {strides = array<i32>} : memref<66560xf32, #tpu.memory_space<vmem>>, vector<16xf32>,
        %parallel_loop3A_632 = arith.addi %parallel_loop3A_566, %sub3A_323 : i32
        %parallel_loop3A_633 = arith.constant 1 : i32
        %parallel_loop3A_634 = arith.subi %parallel_loop3A_632, %parallel_loop3A_633 : i32
        %parallel_loop3A_635 = arith.index_cast %parallel_loop3A_634 : i32 to index
        %parallel_loop3A_636 = tpu.vector_load %arg6[%parallel_loop3A_635] {strides = array<i32>} : memref<66560xf32, #tpu.memory_space<vmem>>, vector<16xf32>,
        %parallel_loop3A_637 = arith.mulf %parallel_loop3A_631, %gather3A_331 : vector<16xf32>
        %parallel_loop3A_638 = arith.addf %parallel_loop3A_628, %parallel_loop3A_637 : vector<16xf32>
        %parallel_loop3A_639 = arith.mulf %parallel_loop3A_636, %gather3A_327 : vector<16xf32>
        %parallel_loop3A_640 = arith.addf %parallel_loop3A_638, %parallel_loop3A_639 : vector<16xf32>
        %parallel_loop3A_641 = arith.addi %parallel_loop3A_566, %sub3A_349 : i32
        %parallel_loop3A_642 = arith.index_cast %parallel_loop3A_641 : i32 to index
        %parallel_loop3A_643 = tpu.vector_load %arg6[%parallel_loop3A_642] {strides = array<i32>} : memref<66560xf32, #tpu.memory_space<vmem>>, vector<16xf32>,
        %parallel_loop3A_644 = arith.addi %parallel_loop3A_566, %sub3A_349 : i32
        %parallel_loop3A_645 = arith.constant 1 : i32
        %parallel_loop3A_646 = arith.subi %parallel_loop3A_644, %parallel_loop3A_645 : i32
        %parallel_loop3A_647 = arith.index_cast %parallel_loop3A_646 : i32 to index
        %parallel_loop3A_648 = tpu.vector_load %arg6[%parallel_loop3A_647] {strides = array<i32>} : memref<66560xf32, #tpu.memory_space<vmem>>, vector<16xf32>,
        %parallel_loop3A_649 = arith.mulf %parallel_loop3A_643, %gather3A_357 : vector<16xf32>
        %parallel_loop3A_650 = arith.addf %parallel_loop3A_640, %parallel_loop3A_649 : vector<16xf32>
        %parallel_loop3A_651 = arith.mulf %parallel_loop3A_648, %gather3A_353 : vector<16xf32>
        %parallel_loop3A_652 = arith.addf %parallel_loop3A_650, %parallel_loop3A_651 : vector<16xf32>
        %parallel_loop3A_653 = arith.addi %parallel_loop3A_566, %sub3A_375 : i32
        %parallel_loop3A_654 = arith.index_cast %parallel_loop3A_653 : i32 to index
        %parallel_loop3A_655 = tpu.vector_load %arg6[%parallel_loop3A_654] {strides = array<i32>} : memref<66560xf32, #tpu.memory_space<vmem>>, vector<16xf32>,
        %parallel_loop3A_656 = arith.addi %parallel_loop3A_566, %sub3A_375 : i32
        %parallel_loop3A_657 = arith.constant 1 : i32
        %parallel_loop3A_658 = arith.subi %parallel_loop3A_656, %parallel_loop3A_657 : i32
        %parallel_loop3A_659 = arith.index_cast %parallel_loop3A_658 : i32 to index
        %parallel_loop3A_660 = tpu.vector_load %arg6[%parallel_loop3A_659] {strides = array<i32>} : memref<66560xf32, #tpu.memory_space<vmem>>, vector<16xf32>,
        %parallel_loop3A_661 = arith.mulf %parallel_loop3A_655, %gather3A_383 : vector<16xf32>
        %parallel_loop3A_662 = arith.addf %parallel_loop3A_652, %parallel_loop3A_661 : vector<16xf32>
        %parallel_loop3A_663 = arith.mulf %parallel_loop3A_660, %gather3A_379 : vector<16xf32>
        %parallel_loop3A_664 = arith.addf %parallel_loop3A_662, %parallel_loop3A_663 : vector<16xf32>
        %parallel_loop3A_665 = arith.index_cast %parallel_loop3A_566 : i32 to index
        %parallel_loop3A_666 = tpu.vector_load %arg7[%parallel_loop3A_665] {strides = array<i32>} : memref<8192xf32, #tpu.memory_space<vmem>>, vector<16xf32>,
        tpu.vector_store %arg7[%parallel_loop3A_665], %parallel_loop3A_664 {strides = array<i32>} : memref<8192xf32, #tpu.memory_space<vmem>>, vector<16xf32>,
      } {sc.loop_unroll_factor = 2 : i64, sc.parallel_access}
      %dma_wait3A_473 = arith.constant 0 : i32
      %dma_wait3A_474 = arith.constant 4224 : i32
      %dma_wait3A_475 = tpu.memref_slice %arg6[%dma_wait3A_474] : memref<66560xf32, #tpu.memory_space<vmem>> -> memref<4096xf32, #tpu.memory_space<vmem>>
      %dma_wait3A_476 = arith.constant 6144 : i32
      %dma_wait3A_477 = tpu.memref_slice %arg3[%add3A, %dma_wait3A_473, %dma_wait3A_476] : memref<24x8x10240xf32, #tpu.memory_space<hbm>> -> memref<1x1x4096xf32, #tpu.memory_space<hbm>>
      %dma_wait3A_478 = tpu.memref_squeeze %dma_wait3A_477 : memref<1x1x4096xf32, #tpu.memory_space<hbm>> -> memref<4096xf32, #tpu.memory_space<hbm>>
      %dma_wait3A_479 = arith.constant 4224 : i32
      %dma_wait3A_480 = tpu.memref_slice %arg6[%dma_wait3A_479] : memref<66560xf32, #tpu.memory_space<vmem>> -> memref<4096xf32, #tpu.memory_space<vmem>>
      %dma_wait3A_481 = arith.constant 6144 : i32
      %dma_wait3A_482 = tpu.memref_slice %arg3[%add3A, %dma_wait3A_473, %dma_wait3A_481] : memref<24x8x10240xf32, #tpu.memory_space<hbm>> -> memref<1x1x4096xf32, #tpu.memory_space<hbm>>
      %dma_wait3A_483 = tpu.memref_squeeze %dma_wait3A_482 : memref<1x1x4096xf32, #tpu.memory_space<hbm>> -> memref<4096xf32, #tpu.memory_space<hbm>>
      tpu.wait_dma2 semaphore(%arg9 : memref<!tpu.dma_semaphore, #tpu.memory_space<semaphore_mem>>) src(%dma_wait3A_483 : memref<4096xf32, #tpu.memory_space<hbm>>) dst(%dma_wait3A_480 : memref<4096xf32, #tpu.memory_space<vmem>>)
      %dma_wait3A_484 = arith.constant 1 : i32
      %dma_wait3A_485 = arith.constant 12544 : i32
      %dma_wait3A_486 = tpu.memref_slice %arg6[%dma_wait3A_485] : memref<66560xf32, #tpu.memory_space<vmem>> -> memref<4096xf32, #tpu.memory_space<vmem>>
      %dma_wait3A_487 = arith.constant 6144 : i32
      %dma_wait3A_488 = tpu.memref_slice %arg3[%add3A, %dma_wait3A_484, %dma_wait3A_487] : memref<24x8x10240xf32, #tpu.memory_space<hbm>> -> memref<1x1x4096xf32, #tpu.memory_space<hbm>>
      %dma_wait3A_489 = tpu.memref_squeeze %dma_wait3A_488 : memref<1x1x4096xf32, #tpu.memory_space<hbm>> -> memref<4096xf32, #tpu.memory_space<hbm>>
      %dma_wait3A_490 = arith.constant 12544 : i32
      %dma_wait3A_491 = tpu.memref_slice %arg6[%dma_wait3A_490] : memref<66560xf32, #tpu.memory_space<vmem>> -> memref<4096xf32, #tpu.memory_space<vmem>>
      %dma_wait3A_492 = arith.constant 6144 : i32
      %dma_wait3A_493 = tpu.memref_slice %arg3[%add3A, %dma_wait3A_484, %dma_wait3A_492] : memref<24x8x10240xf32, #tpu.memory_space<hbm>> -> memref<1x1x4096xf32, #tpu.memory_space<hbm>>
      %dma_wait3A_494 = tpu.memref_squeeze %dma_wait3A_493 : memref<1x1x4096xf32, #tpu.memory_space<hbm>> -> memref<4096xf32, #tpu.memory_space<hbm>>
      tpu.wait_dma2 semaphore(%arg9 : memref<!tpu.dma_semaphore, #tpu.memory_space<semaphore_mem>>) src(%dma_wait3A_494 : memref<4096xf32, #tpu.memory_space<hbm>>) dst(%dma_wait3A_491 : memref<4096xf32, #tpu.memory_space<vmem>>)
      %dma_wait3A_495 = arith.constant 2 : i32
      %dma_wait3A_496 = arith.constant 20864 : i32
      %dma_wait3A_497 = tpu.memref_slice %arg6[%dma_wait3A_496] : memref<66560xf32, #tpu.memory_space<vmem>> -> memref<4096xf32, #tpu.memory_space<vmem>>
      %dma_wait3A_498 = arith.constant 6144 : i32
      %dma_wait3A_499 = tpu.memref_slice %arg3[%add3A, %dma_wait3A_495, %dma_wait3A_498] : memref<24x8x10240xf32, #tpu.memory_space<hbm>> -> memref<1x1x4096xf32, #tpu.memory_space<hbm>>
      %dma_wait3A_500 = tpu.memref_squeeze %dma_wait3A_499 : memref<1x1x4096xf32, #tpu.memory_space<hbm>> -> memref<4096xf32, #tpu.memory_space<hbm>>
      %dma_wait3A_501 = arith.constant 20864 : i32
      %dma_wait3A_502 = tpu.memref_slice %arg6[%dma_wait3A_501] : memref<66560xf32, #tpu.memory_space<vmem>> -> memref<4096xf32, #tpu.memory_space<vmem>>
      %dma_wait3A_503 = arith.constant 6144 : i32
      %dma_wait3A_504 = tpu.memref_slice %arg3[%add3A, %dma_wait3A_495, %dma_wait3A_503] : memref<24x8x10240xf32, #tpu.memory_space<hbm>> -> memref<1x1x4096xf32, #tpu.memory_space<hbm>>
      %dma_wait3A_505 = tpu.memref_squeeze %dma_wait3A_504 : memref<1x1x4096xf32, #tpu.memory_space<hbm>> -> memref<4096xf32, #tpu.memory_space<hbm>>
      tpu.wait_dma2 semaphore(%arg9 : memref<!tpu.dma_semaphore, #tpu.memory_space<semaphore_mem>>) src(%dma_wait3A_505 : memref<4096xf32, #tpu.memory_space<hbm>>) dst(%dma_wait3A_502 : memref<4096xf32, #tpu.memory_space<vmem>>)
      %dma_wait3A_506 = arith.constant 3 : i32
      %dma_wait3A_507 = arith.constant 29184 : i32
      %dma_wait3A_508 = tpu.memref_slice %arg6[%dma_wait3A_507] : memref<66560xf32, #tpu.memory_space<vmem>> -> memref<4096xf32, #tpu.memory_space<vmem>>
      %dma_wait3A_509 = arith.constant 6144 : i32
      %dma_wait3A_510 = tpu.memref_slice %arg3[%add3A, %dma_wait3A_506, %dma_wait3A_509] : memref<24x8x10240xf32, #tpu.memory_space<hbm>> -> memref<1x1x4096xf32, #tpu.memory_space<hbm>>
      %dma_wait3A_511 = tpu.memref_squeeze %dma_wait3A_510 : memref<1x1x4096xf32, #tpu.memory_space<hbm>> -> memref<4096xf32, #tpu.memory_space<hbm>>
      %dma_wait3A_512 = arith.constant 29184 : i32
      %dma_wait3A_513 = tpu.memref_slice %arg6[%dma_wait3A_512] : memref<66560xf32, #tpu.memory_space<vmem>> -> memref<4096xf32, #tpu.memory_space<vmem>>
      %dma_wait3A_514 = arith.constant 6144 : i32
      %dma_wait3A_515 = tpu.memref_slice %arg3[%add3A, %dma_wait3A_506, %dma_wait3A_514] : memref<24x8x10240xf32, #tpu.memory_space<hbm>> -> memref<1x1x4096xf32, #tpu.memory_space<hbm>>
      %dma_wait3A_516 = tpu.memref_squeeze %dma_wait3A_515 : memref<1x1x4096xf32, #tpu.memory_space<hbm>> -> memref<4096xf32, #tpu.memory_space<hbm>>
      tpu.wait_dma2 semaphore(%arg9 : memref<!tpu.dma_semaphore, #tpu.memory_space<semaphore_mem>>) src(%dma_wait3A_516 : memref<4096xf32, #tpu.memory_space<hbm>>) dst(%dma_wait3A_513 : memref<4096xf32, #tpu.memory_space<vmem>>)
      %dma_wait3A_517 = arith.constant 4 : i32
      %dma_wait3A_518 = arith.constant 37504 : i32
      %dma_wait3A_519 = tpu.memref_slice %arg6[%dma_wait3A_518] : memref<66560xf32, #tpu.memory_space<vmem>> -> memref<4096xf32, #tpu.memory_space<vmem>>
      %dma_wait3A_520 = arith.constant 6144 : i32
      %dma_wait3A_521 = tpu.memref_slice %arg3[%add3A, %dma_wait3A_517, %dma_wait3A_520] : memref<24x8x10240xf32, #tpu.memory_space<hbm>> -> memref<1x1x4096xf32, #tpu.memory_space<hbm>>
      %dma_wait3A_522 = tpu.memref_squeeze %dma_wait3A_521 : memref<1x1x4096xf32, #tpu.memory_space<hbm>> -> memref<4096xf32, #tpu.memory_space<hbm>>
      %dma_wait3A_523 = arith.constant 37504 : i32
      %dma_wait3A_524 = tpu.memref_slice %arg6[%dma_wait3A_523] : memref<66560xf32, #tpu.memory_space<vmem>> -> memref<4096xf32, #tpu.memory_space<vmem>>
      %dma_wait3A_525 = arith.constant 6144 : i32
      %dma_wait3A_526 = tpu.memref_slice %arg3[%add3A, %dma_wait3A_517, %dma_wait3A_525] : memref<24x8x10240xf32, #tpu.memory_space<hbm>> -> memref<1x1x4096xf32, #tpu.memory_space<hbm>>
      %dma_wait3A_527 = tpu.memref_squeeze %dma_wait3A_526 : memref<1x1x4096xf32, #tpu.memory_space<hbm>> -> memref<4096xf32, #tpu.memory_space<hbm>>
      tpu.wait_dma2 semaphore(%arg9 : memref<!tpu.dma_semaphore, #tpu.memory_space<semaphore_mem>>) src(%dma_wait3A_527 : memref<4096xf32, #tpu.memory_space<hbm>>) dst(%dma_wait3A_524 : memref<4096xf32, #tpu.memory_space<vmem>>)
      %dma_wait3A_528 = arith.constant 5 : i32
      %dma_wait3A_529 = arith.constant 45824 : i32
      %dma_wait3A_530 = tpu.memref_slice %arg6[%dma_wait3A_529] : memref<66560xf32, #tpu.memory_space<vmem>> -> memref<4096xf32, #tpu.memory_space<vmem>>
      %dma_wait3A_531 = arith.constant 6144 : i32
      %dma_wait3A_532 = tpu.memref_slice %arg3[%add3A, %dma_wait3A_528, %dma_wait3A_531] : memref<24x8x10240xf32, #tpu.memory_space<hbm>> -> memref<1x1x4096xf32, #tpu.memory_space<hbm>>
      %dma_wait3A_533 = tpu.memref_squeeze %dma_wait3A_532 : memref<1x1x4096xf32, #tpu.memory_space<hbm>> -> memref<4096xf32, #tpu.memory_space<hbm>>
      %dma_wait3A_534 = arith.constant 45824 : i32
      %dma_wait3A_535 = tpu.memref_slice %arg6[%dma_wait3A_534] : memref<66560xf32, #tpu.memory_space<vmem>> -> memref<4096xf32, #tpu.memory_space<vmem>>
      %dma_wait3A_536 = arith.constant 6144 : i32
      %dma_wait3A_537 = tpu.memref_slice %arg3[%add3A, %dma_wait3A_528, %dma_wait3A_536] : memref<24x8x10240xf32, #tpu.memory_space<hbm>> -> memref<1x1x4096xf32, #tpu.memory_space<hbm>>
      %dma_wait3A_538 = tpu.memref_squeeze %dma_wait3A_537 : memref<1x1x4096xf32, #tpu.memory_space<hbm>> -> memref<4096xf32, #tpu.memory_space<hbm>>
      tpu.wait_dma2 semaphore(%arg9 : memref<!tpu.dma_semaphore, #tpu.memory_space<semaphore_mem>>) src(%dma_wait3A_538 : memref<4096xf32, #tpu.memory_space<hbm>>) dst(%dma_wait3A_535 : memref<4096xf32, #tpu.memory_space<vmem>>)
      %dma_wait3A_539 = arith.constant 6 : i32
      %dma_wait3A_540 = arith.constant 54144 : i32
      %dma_wait3A_541 = tpu.memref_slice %arg6[%dma_wait3A_540] : memref<66560xf32, #tpu.memory_space<vmem>> -> memref<4096xf32, #tpu.memory_space<vmem>>
      %dma_wait3A_542 = arith.constant 6144 : i32
      %dma_wait3A_543 = tpu.memref_slice %arg3[%add3A, %dma_wait3A_539, %dma_wait3A_542] : memref<24x8x10240xf32, #tpu.memory_space<hbm>> -> memref<1x1x4096xf32, #tpu.memory_space<hbm>>
      %dma_wait3A_544 = tpu.memref_squeeze %dma_wait3A_543 : memref<1x1x4096xf32, #tpu.memory_space<hbm>> -> memref<4096xf32, #tpu.memory_space<hbm>>
      %dma_wait3A_545 = arith.constant 54144 : i32
      %dma_wait3A_546 = tpu.memref_slice %arg6[%dma_wait3A_545] : memref<66560xf32, #tpu.memory_space<vmem>> -> memref<4096xf32, #tpu.memory_space<vmem>>
      %dma_wait3A_547 = arith.constant 6144 : i32
      %dma_wait3A_548 = tpu.memref_slice %arg3[%add3A, %dma_wait3A_539, %dma_wait3A_547] : memref<24x8x10240xf32, #tpu.memory_space<hbm>> -> memref<1x1x4096xf32, #tpu.memory_space<hbm>>
      %dma_wait3A_549 = tpu.memref_squeeze %dma_wait3A_548 : memref<1x1x4096xf32, #tpu.memory_space<hbm>> -> memref<4096xf32, #tpu.memory_space<hbm>>
      tpu.wait_dma2 semaphore(%arg9 : memref<!tpu.dma_semaphore, #tpu.memory_space<semaphore_mem>>) src(%dma_wait3A_549 : memref<4096xf32, #tpu.memory_space<hbm>>) dst(%dma_wait3A_546 : memref<4096xf32, #tpu.memory_space<vmem>>)
      %dma_wait3A_550 = arith.constant 7 : i32
      %dma_wait3A_551 = arith.constant 62464 : i32
      %dma_wait3A_552 = tpu.memref_slice %arg6[%dma_wait3A_551] : memref<66560xf32, #tpu.memory_space<vmem>> -> memref<4096xf32, #tpu.memory_space<vmem>>
      %dma_wait3A_553 = arith.constant 6144 : i32
      %dma_wait3A_554 = tpu.memref_slice %arg3[%add3A, %dma_wait3A_550, %dma_wait3A_553] : memref<24x8x10240xf32, #tpu.memory_space<hbm>> -> memref<1x1x4096xf32, #tpu.memory_space<hbm>>
      %dma_wait3A_555 = tpu.memref_squeeze %dma_wait3A_554 : memref<1x1x4096xf32, #tpu.memory_space<hbm>> -> memref<4096xf32, #tpu.memory_space<hbm>>
      %dma_wait3A_556 = arith.constant 62464 : i32
      %dma_wait3A_557 = tpu.memref_slice %arg6[%dma_wait3A_556] : memref<66560xf32, #tpu.memory_space<vmem>> -> memref<4096xf32, #tpu.memory_space<vmem>>
      %dma_wait3A_558 = arith.constant 6144 : i32
      %dma_wait3A_559 = tpu.memref_slice %arg3[%add3A, %dma_wait3A_550, %dma_wait3A_558] : memref<24x8x10240xf32, #tpu.memory_space<hbm>> -> memref<1x1x4096xf32, #tpu.memory_space<hbm>>
      %dma_wait3A_560 = tpu.memref_squeeze %dma_wait3A_559 : memref<1x1x4096xf32, #tpu.memory_space<hbm>> -> memref<4096xf32, #tpu.memory_space<hbm>>
      tpu.wait_dma2 semaphore(%arg9 : memref<!tpu.dma_semaphore, #tpu.memory_space<semaphore_mem>>) src(%dma_wait3A_560 : memref<4096xf32, #tpu.memory_space<hbm>>) dst(%dma_wait3A_557 : memref<4096xf32, #tpu.memory_space<vmem>>)
      %parallel_loop3A_561 = arith.constant 256 : i32
      %parallel_loop3A_562 = arith.constant 512 : i32
      %parallel_loop3A_563 = arith.constant 1 : i32
      scf.for %parallel_loop3A_564 = %parallel_loop3A_561 to %parallel_loop3A_562 step %parallel_loop3A_563  : i32 {
        %parallel_loop3A_565 = arith.constant 16 : i32
        %parallel_loop3A_566 = arith.muli %parallel_loop3A_564, %parallel_loop3A_565 : i32
        %parallel_loop3A_567 = arith.constant 0.000000e+00 : f32
        %parallel_loop3A_568 = vector.broadcast %parallel_loop3A_567 : f32 to vector<16xf32>
        %parallel_loop3A_569 = arith.addi %parallel_loop3A_566, %sub3A_193 : i32
        %parallel_loop3A_570 = arith.index_cast %parallel_loop3A_569 : i32 to index
        %parallel_loop3A_571 = tpu.vector_load %arg6[%parallel_loop3A_570] {strides = array<i32>} : memref<66560xf32, #tpu.memory_space<vmem>>, vector<16xf32>,
        %parallel_loop3A_572 = arith.addi %parallel_loop3A_566, %sub3A_193 : i32
        %parallel_loop3A_573 = arith.constant 1 : i32
        %parallel_loop3A_574 = arith.subi %parallel_loop3A_572, %parallel_loop3A_573 : i32
        %parallel_loop3A_575 = arith.index_cast %parallel_loop3A_574 : i32 to index
        %parallel_loop3A_576 = tpu.vector_load %arg6[%parallel_loop3A_575] {strides = array<i32>} : memref<66560xf32, #tpu.memory_space<vmem>>, vector<16xf32>,
        %parallel_loop3A_577 = arith.mulf %parallel_loop3A_571, %gather3A_201 : vector<16xf32>
        %parallel_loop3A_578 = arith.addf %parallel_loop3A_568, %parallel_loop3A_577 : vector<16xf32>
        %parallel_loop3A_579 = arith.mulf %parallel_loop3A_576, %gather3A_197 : vector<16xf32>
        %parallel_loop3A_580 = arith.addf %parallel_loop3A_578, %parallel_loop3A_579 : vector<16xf32>
        %parallel_loop3A_581 = arith.addi %parallel_loop3A_566, %sub3A_219 : i32
        %parallel_loop3A_582 = arith.index_cast %parallel_loop3A_581 : i32 to index
        %parallel_loop3A_583 = tpu.vector_load %arg6[%parallel_loop3A_582] {strides = array<i32>} : memref<66560xf32, #tpu.memory_space<vmem>>, vector<16xf32>,
        %parallel_loop3A_584 = arith.addi %parallel_loop3A_566, %sub3A_219 : i32
        %parallel_loop3A_585 = arith.constant 1 : i32
        %parallel_loop3A_586 = arith.subi %parallel_loop3A_584, %parallel_loop3A_585 : i32
        %parallel_loop3A_587 = arith.index_cast %parallel_loop3A_586 : i32 to index
        %parallel_loop3A_588 = tpu.vector_load %arg6[%parallel_loop3A_587] {strides = array<i32>} : memref<66560xf32, #tpu.memory_space<vmem>>, vector<16xf32>,
        %parallel_loop3A_589 = arith.mulf %parallel_loop3A_583, %gather3A_227 : vector<16xf32>
        %parallel_loop3A_590 = arith.addf %parallel_loop3A_580, %parallel_loop3A_589 : vector<16xf32>
        %parallel_loop3A_591 = arith.mulf %parallel_loop3A_588, %gather3A_223 : vector<16xf32>
        %parallel_loop3A_592 = arith.addf %parallel_loop3A_590, %parallel_loop3A_591 : vector<16xf32>
        %parallel_loop3A_593 = arith.addi %parallel_loop3A_566, %sub3A_245 : i32
        %parallel_loop3A_594 = arith.index_cast %parallel_loop3A_593 : i32 to index
        %parallel_loop3A_595 = tpu.vector_load %arg6[%parallel_loop3A_594] {strides = array<i32>} : memref<66560xf32, #tpu.memory_space<vmem>>, vector<16xf32>,
        %parallel_loop3A_596 = arith.addi %parallel_loop3A_566, %sub3A_245 : i32
        %parallel_loop3A_597 = arith.constant 1 : i32
        %parallel_loop3A_598 = arith.subi %parallel_loop3A_596, %parallel_loop3A_597 : i32
        %parallel_loop3A_599 = arith.index_cast %parallel_loop3A_598 : i32 to index
        %parallel_loop3A_600 = tpu.vector_load %arg6[%parallel_loop3A_599] {strides = array<i32>} : memref<66560xf32, #tpu.memory_space<vmem>>, vector<16xf32>,
        %parallel_loop3A_601 = arith.mulf %parallel_loop3A_595, %gather3A_253 : vector<16xf32>
        %parallel_loop3A_602 = arith.addf %parallel_loop3A_592, %parallel_loop3A_601 : vector<16xf32>
        %parallel_loop3A_603 = arith.mulf %parallel_loop3A_600, %gather3A_249 : vector<16xf32>
        %parallel_loop3A_604 = arith.addf %parallel_loop3A_602, %parallel_loop3A_603 : vector<16xf32>
        %parallel_loop3A_605 = arith.addi %parallel_loop3A_566, %sub3A_271 : i32
        %parallel_loop3A_606 = arith.index_cast %parallel_loop3A_605 : i32 to index
        %parallel_loop3A_607 = tpu.vector_load %arg6[%parallel_loop3A_606] {strides = array<i32>} : memref<66560xf32, #tpu.memory_space<vmem>>, vector<16xf32>,
        %parallel_loop3A_608 = arith.addi %parallel_loop3A_566, %sub3A_271 : i32
        %parallel_loop3A_609 = arith.constant 1 : i32
        %parallel_loop3A_610 = arith.subi %parallel_loop3A_608, %parallel_loop3A_609 : i32
        %parallel_loop3A_611 = arith.index_cast %parallel_loop3A_610 : i32 to index
        %parallel_loop3A_612 = tpu.vector_load %arg6[%parallel_loop3A_611] {strides = array<i32>} : memref<66560xf32, #tpu.memory_space<vmem>>, vector<16xf32>,
        %parallel_loop3A_613 = arith.mulf %parallel_loop3A_607, %gather3A_279 : vector<16xf32>
        %parallel_loop3A_614 = arith.addf %parallel_loop3A_604, %parallel_loop3A_613 : vector<16xf32>
        %parallel_loop3A_615 = arith.mulf %parallel_loop3A_612, %gather3A_275 : vector<16xf32>
        %parallel_loop3A_616 = arith.addf %parallel_loop3A_614, %parallel_loop3A_615 : vector<16xf32>
        %parallel_loop3A_617 = arith.addi %parallel_loop3A_566, %sub3A_297 : i32
        %parallel_loop3A_618 = arith.index_cast %parallel_loop3A_617 : i32 to index
        %parallel_loop3A_619 = tpu.vector_load %arg6[%parallel_loop3A_618] {strides = array<i32>} : memref<66560xf32, #tpu.memory_space<vmem>>, vector<16xf32>,
        %parallel_loop3A_620 = arith.addi %parallel_loop3A_566, %sub3A_297 : i32
        %parallel_loop3A_621 = arith.constant 1 : i32
        %parallel_loop3A_622 = arith.subi %parallel_loop3A_620, %parallel_loop3A_621 : i32
        %parallel_loop3A_623 = arith.index_cast %parallel_loop3A_622 : i32 to index
        %parallel_loop3A_624 = tpu.vector_load %arg6[%parallel_loop3A_623] {strides = array<i32>} : memref<66560xf32, #tpu.memory_space<vmem>>, vector<16xf32>,
        %parallel_loop3A_625 = arith.mulf %parallel_loop3A_619, %gather3A_305 : vector<16xf32>
        %parallel_loop3A_626 = arith.addf %parallel_loop3A_616, %parallel_loop3A_625 : vector<16xf32>
        %parallel_loop3A_627 = arith.mulf %parallel_loop3A_624, %gather3A_301 : vector<16xf32>
        %parallel_loop3A_628 = arith.addf %parallel_loop3A_626, %parallel_loop3A_627 : vector<16xf32>
        %parallel_loop3A_629 = arith.addi %parallel_loop3A_566, %sub3A_323 : i32
        %parallel_loop3A_630 = arith.index_cast %parallel_loop3A_629 : i32 to index
        %parallel_loop3A_631 = tpu.vector_load %arg6[%parallel_loop3A_630] {strides = array<i32>} : memref<66560xf32, #tpu.memory_space<vmem>>, vector<16xf32>,
        %parallel_loop3A_632 = arith.addi %parallel_loop3A_566, %sub3A_323 : i32
        %parallel_loop3A_633 = arith.constant 1 : i32
        %parallel_loop3A_634 = arith.subi %parallel_loop3A_632, %parallel_loop3A_633 : i32
        %parallel_loop3A_635 = arith.index_cast %parallel_loop3A_634 : i32 to index
        %parallel_loop3A_636 = tpu.vector_load %arg6[%parallel_loop3A_635] {strides = array<i32>} : memref<66560xf32, #tpu.memory_space<vmem>>, vector<16xf32>,
        %parallel_loop3A_637 = arith.mulf %parallel_loop3A_631, %gather3A_331 : vector<16xf32>
        %parallel_loop3A_638 = arith.addf %parallel_loop3A_628, %parallel_loop3A_637 : vector<16xf32>
        %parallel_loop3A_639 = arith.mulf %parallel_loop3A_636, %gather3A_327 : vector<16xf32>
        %parallel_loop3A_640 = arith.addf %parallel_loop3A_638, %parallel_loop3A_639 : vector<16xf32>
        %parallel_loop3A_641 = arith.addi %parallel_loop3A_566, %sub3A_349 : i32
        %parallel_loop3A_642 = arith.index_cast %parallel_loop3A_641 : i32 to index
        %parallel_loop3A_643 = tpu.vector_load %arg6[%parallel_loop3A_642] {strides = array<i32>} : memref<66560xf32, #tpu.memory_space<vmem>>, vector<16xf32>,
        %parallel_loop3A_644 = arith.addi %parallel_loop3A_566, %sub3A_349 : i32
        %parallel_loop3A_645 = arith.constant 1 : i32
        %parallel_loop3A_646 = arith.subi %parallel_loop3A_644, %parallel_loop3A_645 : i32
        %parallel_loop3A_647 = arith.index_cast %parallel_loop3A_646 : i32 to index
        %parallel_loop3A_648 = tpu.vector_load %arg6[%parallel_loop3A_647] {strides = array<i32>} : memref<66560xf32, #tpu.memory_space<vmem>>, vector<16xf32>,
        %parallel_loop3A_649 = arith.mulf %parallel_loop3A_643, %gather3A_357 : vector<16xf32>
        %parallel_loop3A_650 = arith.addf %parallel_loop3A_640, %parallel_loop3A_649 : vector<16xf32>
        %parallel_loop3A_651 = arith.mulf %parallel_loop3A_648, %gather3A_353 : vector<16xf32>
        %parallel_loop3A_652 = arith.addf %parallel_loop3A_650, %parallel_loop3A_651 : vector<16xf32>
        %parallel_loop3A_653 = arith.addi %parallel_loop3A_566, %sub3A_375 : i32
        %parallel_loop3A_654 = arith.index_cast %parallel_loop3A_653 : i32 to index
        %parallel_loop3A_655 = tpu.vector_load %arg6[%parallel_loop3A_654] {strides = array<i32>} : memref<66560xf32, #tpu.memory_space<vmem>>, vector<16xf32>,
        %parallel_loop3A_656 = arith.addi %parallel_loop3A_566, %sub3A_375 : i32
        %parallel_loop3A_657 = arith.constant 1 : i32
        %parallel_loop3A_658 = arith.subi %parallel_loop3A_656, %parallel_loop3A_657 : i32
        %parallel_loop3A_659 = arith.index_cast %parallel_loop3A_658 : i32 to index
        %parallel_loop3A_660 = tpu.vector_load %arg6[%parallel_loop3A_659] {strides = array<i32>} : memref<66560xf32, #tpu.memory_space<vmem>>, vector<16xf32>,
        %parallel_loop3A_661 = arith.mulf %parallel_loop3A_655, %gather3A_383 : vector<16xf32>
        %parallel_loop3A_662 = arith.addf %parallel_loop3A_652, %parallel_loop3A_661 : vector<16xf32>
        %parallel_loop3A_663 = arith.mulf %parallel_loop3A_660, %gather3A_379 : vector<16xf32>
        %parallel_loop3A_664 = arith.addf %parallel_loop3A_662, %parallel_loop3A_663 : vector<16xf32>
        %parallel_loop3A_665 = arith.index_cast %parallel_loop3A_566 : i32 to index
        %parallel_loop3A_666 = tpu.vector_load %arg7[%parallel_loop3A_665] {strides = array<i32>} : memref<8192xf32, #tpu.memory_space<vmem>>, vector<16xf32>,
        tpu.vector_store %arg7[%parallel_loop3A_665], %parallel_loop3A_664 {strides = array<i32>} : memref<8192xf32, #tpu.memory_space<vmem>>, vector<16xf32>,
      } {sc.loop_unroll_factor = 2 : i64, sc.parallel_access}
      "tpu.region"() ({
        %run_scoped3A = tpu.sem_alloc : memref<!tpu.dma_semaphore, #tpu.memory_space<semaphore_mem>>
        %dma_start3A_564 = arith.constant 0 : i32
        %dma_start3A_565 = tpu.memref_slice %arg4[%add3A, %dma_start3A_564] : memref<24x8192xf32, #tpu.memory_space<hbm>> -> memref<1x8192xf32, #tpu.memory_space<hbm>>
        %dma_start3A_566 = tpu.memref_squeeze %dma_start3A_565 : memref<1x8192xf32, #tpu.memory_space<hbm>> -> memref<8192xf32, #tpu.memory_space<hbm>>
        %dma_start3A_567 = arith.constant 0 : i32
        %dma_start3A_568 = tpu.memref_slice %arg4[%add3A, %dma_start3A_567] : memref<24x8192xf32, #tpu.memory_space<hbm>> -> memref<1x8192xf32, #tpu.memory_space<hbm>>
        %dma_start3A_569 = tpu.memref_squeeze %dma_start3A_568 : memref<1x8192xf32, #tpu.memory_space<hbm>> -> memref<8192xf32, #tpu.memory_space<hbm>>
        tpu.enqueue_dma source(%arg7 : memref<8192xf32, #tpu.memory_space<vmem>>) target(%dma_start3A_569 : memref<8192xf32, #tpu.memory_space<hbm>>) target_semaphore(%run_scoped3A : memref<!tpu.dma_semaphore, #tpu.memory_space<semaphore_mem>>)
        %dma_wait3A_570 = arith.constant 0 : i32
        %dma_wait3A_571 = tpu.memref_slice %arg4[%add3A, %dma_wait3A_570] : memref<24x8192xf32, #tpu.memory_space<hbm>> -> memref<1x8192xf32, #tpu.memory_space<hbm>>
        %dma_wait3A_572 = tpu.memref_squeeze %dma_wait3A_571 : memref<1x8192xf32, #tpu.memory_space<hbm>> -> memref<8192xf32, #tpu.memory_space<hbm>>
        %dma_wait3A_573 = arith.constant 0 : i32
        %dma_wait3A_574 = tpu.memref_slice %arg4[%add3A, %dma_wait3A_573] : memref<24x8192xf32, #tpu.memory_space<hbm>> -> memref<1x8192xf32, #tpu.memory_space<hbm>>
        %dma_wait3A_575 = tpu.memref_squeeze %dma_wait3A_574 : memref<1x8192xf32, #tpu.memory_space<hbm>> -> memref<8192xf32, #tpu.memory_space<hbm>>
        tpu.wait_dma2 semaphore(%run_scoped3A : memref<!tpu.dma_semaphore, #tpu.memory_space<semaphore_mem>>) src(%arg7 : memref<8192xf32, #tpu.memory_space<vmem>>) dst(%dma_wait3A_575 : memref<8192xf32, #tpu.memory_space<hbm>>)
        tpu.yield
      }) : () -> ()
    } else {
    }
    return
  }
}

module attributes {stable_mosaic.version = 14 : i64} {
  func.func @body(%arg0: memref<24x8192xf32, #tpu.memory_space<vmem>>, %arg1: memref<8192xf32, #tpu.memory_space<vmem>>) attributes {dimension_semantics = [], scalar_prefetch = 0 : i64, scratch_operands = 0 : i64, tpu.core_type = #tpu.core_type<tc>} {
    %get3A = arith.constant 0 : index
    %get3A_0 = arith.constant 0 : index
    %get3A_1 = vector.load %arg0[%get3A, %get3A_0] : memref<24x8192xf32, #tpu.memory_space<vmem>>, vector<24x8192xf32>
    %reduce_sum3A = arith.constant dense<0.000000e+00> : vector<8192xf32>
    %reduce_sum3A_2 = vector.multi_reduction <add>, %get3A_1, %reduce_sum3A [0] : vector<24x8192xf32> to vector<8192xf32>
    %swap3A = arith.constant 0 : index
    %swap3A_3 = vector.load %arg1[%swap3A] : memref<8192xf32, #tpu.memory_space<vmem>>, vector<8192xf32>
    tpu.vector_store %arg1[%swap3A], %reduce_sum3A_2 {strides = array<i32>} : memref<8192xf32, #tpu.memory_space<vmem>>, vector<8192xf32>,
    return
  }
}

module attributes {stable_mosaic.version = 14 : i64} {
  func.func @body(%arg0: memref<1x3xf32, #tpu.memory_space<vmem>>, %arg1: memref<192x3xf32, #tpu.memory_space<vmem>>, %arg2: memref<8x256xf32, #tpu.memory_space<vmem>>) attributes {dimension_semantics = [], scalar_prefetch = 0 : i64, scratch_operands = 0 : i64, tpu.core_type = #tpu.core_type<tc>} {
    %get3A = arith.constant 0 : index
    %get3A_0 = arith.constant 0 : index
    %get3A_1 = vector.load %arg1[%get3A, %get3A_0] : memref<192x3xf32, #tpu.memory_space<vmem>>, vector<192x3xf32>
    %get3A_2 = arith.constant 0 : index
    %get3A_3 = arith.constant 0 : index
    %get3A_4 = vector.load %arg0[%get3A_2, %get3A_3] : memref<1x3xf32, #tpu.memory_space<vmem>>, vector<1x3xf32>
    %sub3A = vector.broadcast %get3A_4 : vector<1x3xf32> to vector<192x3xf32>
    %sub3A_5 = arith.subf %get3A_1, %sub3A : vector<192x3xf32>
    %mul3A = arith.mulf %sub3A_5, %sub3A_5 : vector<192x3xf32>
    %reduce_sum3A = arith.constant dense<0.000000e+00> : vector<192xf32>
    %reduce_sum3A_6 = vector.multi_reduction <add>, %mul3A, %reduce_sum3A [1] : vector<192x3xf32> to vector<192xf32>
    %sqrt3A = math.sqrt %reduce_sum3A_6 : vector<192xf32>
    %reduce_max3A = vector.shape_cast %sqrt3A : vector<192xf32> to vector<1x192xf32>
    %reduce_max3A_7 = arith.constant dense<0xFF800000> : vector<1xf32>
    %reduce_max3A_8 = vector.multi_reduction <maximumf>, %reduce_max3A, %reduce_max3A_7 [1] : vector<1x192xf32> to vector<1xf32>
    %reduce_max3A_9 = vector.shape_cast %reduce_max3A_8 : vector<1xf32> to vector<1x1xf32>
    %reduce_max3A_10 = vector.extract %reduce_max3A_9[0, 0] : f32 from vector<1x1xf32>
    %sub3A_11 = vector.broadcast %reduce_max3A_10 : f32 to vector<192xf32>
    %sub3A_12 = arith.subf %sub3A_11, %sqrt3A : vector<192xf32>
    %mul3A_13 = arith.constant 0.00874635577 : f32
    %mul3A_14 = vector.broadcast %mul3A_13 : f32 to vector<192xf32>
    %mul3A_15 = arith.mulf %sub3A_12, %mul3A_14 : vector<192xf32>
    %convert_element_type3A = arith.fptosi %mul3A_15 : vector<192xf32> to vector<192xi32>
    %max3A = arith.constant 0 : i32
    %max3A_16 = vector.broadcast %max3A : i32 to vector<192xi32>
    %max3A_17 = arith.maxsi %convert_element_type3A, %max3A_16 : vector<192xi32>
    %min3A = arith.constant 127 : i32
    %min3A_18 = vector.broadcast %min3A : i32 to vector<192xi32>
    %min3A_19 = arith.minsi %max3A_17, %min3A_18 : vector<192xi32>
    %convert_element_type3A_20 = arith.sitofp %min3A_19 : vector<192xi32> to vector<192xf32>
    %sub3A_21 = arith.subf %mul3A_15, %convert_element_type3A_20 : vector<192xf32>
    %convert_element_type3A_22 = arith.sitofp %min3A_19 : vector<192xi32> to vector<192xf32>
    %mul3A_23 = arith.constant 0.00520833349 : f32
    %mul3A_24 = vector.broadcast %mul3A_23 : f32 to vector<192xf32>
    %mul3A_25 = arith.mulf %sub3A_21, %mul3A_24 : vector<192xf32>
    %sub3A_26 = arith.constant 1.000000e+00 : f32
    %sub3A_27 = vector.broadcast %sub3A_26 : f32 to vector<192xf32>
    %sub3A_28 = arith.subf %sub3A_27, %sub3A_21 : vector<192xf32>
    %mul3A_29 = arith.constant 0.00520833349 : f32
    %mul3A_30 = vector.broadcast %mul3A_29 : f32 to vector<192xf32>
    %mul3A_31 = arith.mulf %sub3A_28, %mul3A_30 : vector<192xf32>
    %stack3A = vector.shape_cast %convert_element_type3A_22 : vector<192xf32> to vector<1x192xf32>
    %stack3A_32 = vector.shape_cast %mul3A_25 : vector<192xf32> to vector<1x192xf32>
    %stack3A_33 = vector.shape_cast %mul3A_31 : vector<192xf32> to vector<1x192xf32>
    %stack3A_34 = tpu.concatenate %stack3A, %stack3A_32, %stack3A_33 in 0 : vector<1x192xf32>, vector<1x192xf32>, vector<1x192xf32> -> vector<3x192xf32>
    %jit3A = arith.constant 0 : i32
    %convert_element_type3A_35 = arith.sitofp %jit3A : i32 to f32
    %pad3A = vector.broadcast %convert_element_type3A_35 : f32 to vector<5x192xf32>
    %pad3A_36 = tpu.concatenate %stack3A_34, %pad3A in 0 : vector<3x192xf32>, vector<5x192xf32> -> vector<8x192xf32>
    %pad3A_37 = vector.broadcast %convert_element_type3A_35 : f32 to vector<8x64xf32>
    %pad3A_38 = tpu.concatenate %pad3A_36, %pad3A_37 in 1 : vector<8x192xf32>, vector<8x64xf32> -> vector<8x256xf32>
    %swap3A = arith.constant 0 : index
    %swap3A_39 = arith.constant 0 : index
    %swap3A_40 = vector.load %arg2[%swap3A, %swap3A_39] : memref<8x256xf32, #tpu.memory_space<vmem>>, vector<8x256xf32>
    tpu.vector_store %arg2[%swap3A, %swap3A_39], %pad3A_38 {strides = array<i32>} : memref<8x256xf32, #tpu.memory_space<vmem>>, vector<8x256xf32>,
    return
  }
}

</mosaic_0001>

<sc_bundles>
// kernel: kernel.5.cloned.1.call-start
scs
__scs_entry_jumppad:
0x0: {  	(pc) =	sbr.rel $0x88, $3  }
0x1: {  	(tag) =	ssettag $0x0;
	lr =	simm.s32 $0x1  }
0x2: {  	[smem:$0x3F9E] =	sst lr;
	_ =	strace $0xD0000000  }
0x3: {  	_ = 	snop  }
0x4: {  	_ = 	snop  }
0x5: {  	_ = 	snop  }
0x6: {  	_ = 	snop  }
0x7: {  	_ = 	snop  }
__scs_overlays_trampoline_lowered:
0x8: {  	[smem:$0x3FAD] =	sst s0  }
0x9: {  	[smem:$0x3FAE] =	sst s1  }
0xa: {  	[smem:$0x3FAF] =	sst s2  }
0xb: {  	[smem:$0x3FB0] =	sst s3  }
0xc: {  	[smem:$0x3FB1] =	sst s4  }
0xd: {  	[smem:$0x3FB2] =	sst s5  }
0xe: {  	[smem:$0x3FB3] =	sst s6  }
0xf: {  	[smem:$0x3FB4] =	sst s7  }
0x10: {  	[smem:$0x3FB5] =	sst s8  }
0x11: {  	[smem:$0x3FB6] =	sst s9;
	s0 =	simm.s32 @!p0 $0x0  }
0x12: {  	s1 =	sld [smem:$0x3F9C];
	s0 =	simm.s32 @p0 $0x1  }
0x13: {  	[smem:$0x3FB7] =	sst s0;
	s0 =	simm.s32 @!p1 $0x0  }
0x14: {  	s2 =	sld [smem:$0x3F9B];
	s0 =	simm.s32 @p1 $0x1  }
0x15: {  	[smem:$0x3FB8] =	sst s0;
	s0 =	simm.s32 @!p2 $0x0  }
0x16: {  	s3 =	sld [smem:$0x3FDB];
	s0 =	simm.s32 @p2 $0x1  }
0x17: {  	s4 =	simm.s32 $0x1BF5;
	[smem:$0x3FBA] =	sst s0  }
0x18: {  	s0 =	sld [smem:$0x3F9D];
	_ =	swait.ge [sflag:s4], $0x0  }
0x19: {  	s7 =	sld [smem:$0x3F9E]  }
0x1a: {  	s8 =	sadd.s32 $0xFFFFE003, lr  }
0x1b: {  	s9 =	sadd.s32 $0xFFFFFEF7, lr;
	s5 =	simm.s32 $0xFFFFFFFF;
	p2 =	slt.u32 s8, $0xFFFFF086  }
0x1c: {  	p1 =	slt.u32 s9, $0xF7A;
	s5 =	simm.s32 @!p2 $0x0  }
0x1d: {  	s5 =	simm.s32 @p1 $0x1;
	p0 =	seq.s32 s7, s2  }
0x1e: {  	s7 =	smul.u32 @!p0 $0xF7A, s2;
	p2 =	seq.s32 @!p0 s5, $0x0  }
0x1f: {  	s9 =	smul.u32 $0xF7A, s1;
	s8 =	simm.s32 @!p0 $0x1BF5;
	p2 =	por !p2, p0  }
0x20: {  	[sflag:s8] =	ssyncset.s32 @!p0 $0xFFFFF086;
	s6 =	sadd.s32 @!p0 s3, s7;
	s7 =	simm.s32 @!p0 $0x108  }
0x21: {  	s3 =	sadd.s32 s3, s9;
	s6 =	sadd.s32 @!p0 $0x88, s6;
	s7 =	simm.s32 @p2 $0x1082  }
0x22: {  	[simem:s7], [sflag:s8] =	dma.local @!p0 [hbm:s6], $0xF7A  }
0x23: {  	s9 =	sor.u32 $0xD0000000, s2;
	s6 =	simm.s32 $0x108;
	_ =	swait.ge @!p0 [sflag:s8], $0x0  }
0x24: {  	s3 =	sadd.s32 $0x88, s3;
	s6 =	simm.s32 @!p1 $0x1082;
	[sflag:s4] =	ssyncset.s32 $0xFFFFF086  }
0x25: {  	[simem:s6], [sflag:s4] =	dma.local [hbm:s3], $0xF7A  }
0x26: {  	[smem:$0x3F9E] =	sst s1;
	(tag) =	ssettag s2;
	_ =	strace s9  }
0x27: {  	s1 =	sld [smem:$0x3FAE]  }
0x28: {  	s2 =	sld [smem:$0x3FAF]  }
0x29: {  	s4 =	sld [smem:$0x3FB1]  }
0x2a: {  	p0 =	seq.s32 s5, $0x0;
	s5 =	sld [smem:$0x3FB2]  }
0x2b: {  	s6 =	sld [smem:$0x3FB3]  }
0x2c: {  	s7 =	sld [smem:$0x3FB4]  }
0x2d: {  	s3 =	simm.s32 $0x108;
	s8 =	sld [smem:$0x3FB5]  }
0x2e: {  	s3 =	simm.s32 @!p0 $0x1082;
	s9 =	sld [smem:$0x3FB6]  }
0x2f: {  	lr =	sadd.s32 s0, s3;
	s0 =	sld [smem:$0x3FAD]  }
0x30: {  	s3 =	sld [smem:$0x3FB0]  }
0x31: {  	[smem:$0x3FB9] =	sst s10  }
0x32: {  	s10 =	sld [smem:$0x3FB7];
	_ =	sdelay $0x3  }
0x33: {  	p0 =	seq.s32 s10, $0x1;
	s10 =	sld [smem:$0x3FB9];
	_ =	sdelay $0x3  }
0x34: {  	[smem:$0x3FB9] =	sst s10  }
0x35: {  	s10 =	sld [smem:$0x3FB8];
	_ =	sdelay $0x3  }
0x36: {  	p1 =	seq.s32 s10, $0x1;
	s10 =	sld [smem:$0x3FB9];
	_ =	sdelay $0x3  }
0x37: {  	[smem:$0x3FB9] =	sst s10  }
0x38: {  	s10 =	sld [smem:$0x3FBA]  }
0x39: {  	_ = 	snop;
	(pc) =	sbr.ind lr, $3  }
0x3a: {  	_ = 	snop  }
0x3b: {  	_ = 	snop  }
0x3c: {  	p2 =	seq.s32 s10, $0x1;
	s10 =	sld [smem:$0x3FB9]  }
0x3d: {  	_ =	shalt  }
0x3e: {  	_ =	shalt  }
0x3f: {  	_ =	shalt  }
0x40: {  	_ =	shalt  }
0x41: {  	_ =	shalt  }
0x42: {  	_ =	shalt  }
0x43: {  	_ =	shalt  }
0x44: {  	_ =	shalt  }
0x45: {  	_ =	shalt  }
0x46: {  	_ =	shalt  }
0x47: {  	_ =	shalt  }
0x48: {  	_ =	shalt  }
0x49: {  	_ =	shalt  }
0x4a: {  	_ =	shalt  }
0x4b: {  	_ =	shalt  }
0x4c: {  	_ =	shalt  }
0x4d: {  	_ =	shalt  }
0x4e: {  	_ =	shalt  }
0x4f: {  	_ =	shalt  }
0x50: {  	_ =	shalt  }
0x51: {  	_ =	shalt  }
0x52: {  	_ =	shalt  }
0x53: {  	_ =	shalt  }
0x54: {  	_ =	shalt  }
0x55: {  	_ =	shalt  }
0x56: {  	_ =	shalt  }
0x57: {  	_ =	shalt  }
0x58: {  	_ =	shalt  }
0x59: {  	_ =	shalt  }
0x5a: {  	_ =	shalt  }
0x5b: {  	_ =	shalt  }
0x5c: {  	_ =	shalt  }
0x5d: {  	_ =	shalt  }
0x5e: {  	_ =	shalt  }
0x5f: {  	_ =	shalt  }
0x60: {  	_ =	shalt  }
0x61: {  	_ =	shalt  }
0x62: {  	_ =	shalt  }
0x63: {  	_ =	shalt  }
0x64: {  	_ =	shalt  }
0x65: {  	_ =	shalt  }
0x66: {  	_ =	shalt  }
0x67: {  	_ =	shalt  }
0x68: {  	_ =	shalt  }
0x69: {  	_ =	shalt  }
0x6a: {  	_ =	shalt  }
0x6b: {  	_ =	shalt  }
0x6c: {  	_ =	shalt  }
0x6d: {  	_ =	shalt  }
0x6e: {  	_ =	shalt  }
0x6f: {  	_ =	shalt  }
0x70: {  	_ =	shalt  }
0x71: {  	_ =	shalt  }
0x72: {  	_ =	shalt  }
0x73: {  	_ =	shalt  }
0x74: {  	_ =	shalt  }
0x75: {  	_ =	shalt  }
0x76: {  	_ =	shalt  }
0x77: {  	_ =	shalt  }
0x78: {  	_ =	shalt  }
0x79: {  	_ =	shalt  }
0x7a: {  	_ =	shalt  }
0x7b: {  	_ =	shalt  }
0x7c: {  	_ =	shalt  }
0x7d: {  	_ =	shalt  }
0x7e: {  	_ =	shalt  }
0x7f: {  	_ =	shalt  }
0x80: {  	_ =	shalt  }
0x81: {  	_ =	shalt  }
0x82: {  	_ =	shalt  }
0x83: {  	_ =	shalt  }
0x84: {  	_ =	shalt  }
0x85: {  	_ =	shalt  }
0x86: {  	_ =	shalt  }
0x87: {  	_ =	shalt  }
.Lfunc_end0:
.L_simem_size_0:
called_computation_lowered:
.L_overlay_start_0:
0x88: {  	s2 =	sld [smem:$0x3FD9]  }
0x89: {  	s3 =	sld [smem:$0x3FFE];
	_ =	sdelay $0x1  }
0x8a: {  	s1 =	srdreg.scid  }
0x8b: {  	s0 =	sand.u32 $0x1, s1  }
0x8c: {  	s17 =	sshll.u32 s0, $0xA;
	s2 =	sadd.s32 s3, s2  }
0x8d: {  	s2 =	sadd.s32 s2, s17  }
0x8e: {  	[smem:$0x3FC5] =	sst s2  }
0x8f: {  	_ = 	snop  }
0x90: {  	s2 =	sld [smem:$0x3FC8]  }
0x91: {  	s18 =	sld [smem:$0x3FD0];
	(tm) =	ssettm $0x1  }
0x92: {  	s4 =	sld [smem:$0x3FFB];
	_ =	sdelay $0x3  }
0x93: {  	_ =	strace s4  }
0x94: {  	s4 =	sld [smem:$0x3FFC];
	_ =	sdelay $0x3  }
0x95: {  	_ =	strace s4  }
0x96: {  	s4 =	sld [smem:$0x3FFD];
	_ =	sdelay $0x3  }
0x97: {  	_ =	strace s4  }
0x98: {  	_ =	strace $0x8FFFFFFF  }
0x99: {  	s19 =	sld [smem:$0x3FDB];
	_ =	sdelay $0x1  }
0x9a: {  	s5 =	simm.s32 $_scs_section_size  }
0x9b: {  	s6 =	simm.s32 $_size__tile_overlayer_lowered;
	s7 =	simm.s32 $_tile_overlayer_lowered  }
0x9c: {  	s22 =	simm.s32 $0x1BFF;
	s21 =	sshll.u32 s7, $0x1;
	s4 =	sadd.s32 s5, s19  }
0x9d: {  	s8 =	simm.s32 $0x0;
	s20 =	sshll.u32 s6, $0x1;
	s6 =	sadd.s32 s21, s4  }
0x9e: {  	[timem:s8], [sflag:s22] =	dma.local [hbm:s6], s20  }
0x9f: {  	_ =	swait.ge [sflag:s22], s20  }
0xa0: {  	s5 =	ssub.s32 $0x0, s20;
	[sflag:s22] =	ssyncset.done $0x0  }
0xa1: {  	[sflag:s22] =	ssyncadd.s32 s5;
	_ =	sdelay $0x1  }
0xa2: {  	s23 =	simm.s32 $0x1B8B  }
0xa3: {  	_ =	swait.ge [sflag:s23], $0x1  }
0xa4: {  	[sflag:s23] =	ssyncset.done $0x0  }
0xa5: {  	s25 =	simm.s32 $0x1B8E;
	s24 =	sld [smem:$0x3FFE];
	[sflag:s23] =	ssyncadd.s32 $0xFFFFFFFF  }
0xa6: {  	s26 =	simm.s32 $execute0_lowered;
	[smem:$0x3FD2] =	sst s25  }
0xa7: {  	s6 =	sshll.u32 s26, $0x1;
	_ =	strace $0x80000046;
	[dreg:$0x1] =	wrdreg $0xFFFFFFFF  }
0xa8: {  	s28 =	simm.s32 $_size_execute0_lowered;
	s4 =	sadd.s32 s4, s6;
	[dreg:$0x0] =	wrdreg $0x0  }
0xa9: {  	s6 =	sshll.u32 s28, $0x1;
	[dreg:$0x2] =	wrdreg s4  }
0xaa: {  	[dreg:$0x3] =	wrdreg s6  }
0xab: {  	[dreg:$0x4] =	wrdreg $0xC0  }
0xac: {  	_ =	task [dreg:s8], $0x5FFFF  }
0xad: {  	[dreg:$0x1] =	wrdreg $0xFFFFFFFF  }
0xae: {  	[dreg:$0x0] =	wrdreg $0x60  }
0xaf: {  	[dreg:$0x2] =	wrdreg s18  }
0xb0: {  	[dreg:$0x3] =	wrdreg s2  }
0xb1: {  	[dreg:$0x4] =	wrdreg s24  }
0xb2: {  	[dreg:$0x5] =	wrdreg $0x9  }
0xb3: {  	_ =	task.clear_ibuf [dreg:s8], $0x6FFFF;
	_ =	strace $0x90000046  }
0xb4: {  	s29 =	simm.s32 $0x9;
	_ =	strace $0x80000048  }
0xb5: {  	_ =	swait.ge [sflag:s29], $0x1  }
0xb6: {  	[sflag:s29] =	ssyncadd.s32 $0xFFFFFFFF  }
0xb7: {  	_ =	strace $0x90000048  }
0xb8: {  	_ =	sfence  }
0xb9: {  	s30 =	sld [smem:$0x0];
	_ =	sdelay $0x2  }
0xba: {  	s31 =	sshll.u32 s1, $0xD;
	s1 =	sshrl.u32 s1, $0x2  }
0xbb: {  	s3 =	sand.u32 $0x4000, s31;
	s1 =	sadd.s32 s1, s30  }
0xbc: {  	s0 =	sor.u32 s3, s0;
	s1 =	sshll.u32 s1, $0x11  }
0xbd: {  	s0 =	sor.u32 s1, s0  }
0xbe: {  	s0 =	sadd.s32 $0x8F2B, s0  }
0xbf: {  	[sflag:s0] =	ssyncadd.remote.s32 $0x1  }
0xc0: {  	_ =	sfence.sel $0xFFFF  }
0xc1: {  	[dreg:$0x0] =	wrdreg $0xFFFFFFFF;
	(pc) =	sbr.abs _section_cstart, $3  }
0xc2: {  	[dreg:$0x1] =	wrdreg $0xFFFFFFFF  }
0xc3: {  	_ =	task.clear_ibuf [dreg:s8], $0x2FFFF;
	_ =	strace $0x9FFFFFFF  }
0xc4: {  	(tm) =	ssettm $0x7FFFFFFF  }
0xc5: {  	_ =	shalt  }
tec
execute0_lowered:
.L_overlay_start_1:
0x0: {  	(tag) =	ssettag $0x1  }
0x1: {  	s1 =	stileid.u32  }
0x2: {  	p0 =	sgt.u32 s1, $0xB  }
.Ltmp0:
0x3: {  	_ = 	snop;
	(pc) =	sbr.rel @p0 .LBB2_7-.Ltmp0, $4  }
0x4: {  	_ = 	snop  }
0x5: {  	s2 =	rddreg [dreg:$0x1];
	s3 =	simm.s32 $0x0  }
0x6: {  	[smem:$0x7FF] =	sst s3  }
0x7: {  	s0 =	rddreg [dreg:$0x2];
	_ =	strace $0x80000047  }
0x8: {  	s1 =	srdreg.scid;
	s6 =	stileid.u32  }
0x9: {  	s4 =	sand.u32 $0x1, s1;
	s22 =	sshll.u32 s6, $0x1  }
0xa: {  	s1 =	sor.u32 s4, s22  }
0xb: {  	s6 =	sshll.u32 s6, $0xB;
	s5 =	sshll.u32 s1, $0x3  }
0xc: {  	s24 =	sshll.u32 s1, $0x4;
	s25 =	smul.u32 $0x14000, s1;
	s1 =	sshllo.u32 s1, $0x3  }
0xd: {  	s6 =	sand.u32 $0x6000, s6;
	v0 =	vmov s5;
	s23 =	sor.u32 $0x1, s5;
	v19 =	vmov s1  }
0xe: {  	s7 =	sor.u32 $0x2, s5;
	s8 =	sor.u32 $0x3, s5;
	s9 =	sor.u32 $0x4, s5;
	v1 =	vshll.u32 v0, $0x3;
	v0 =	vand.u32 $0x78, v0;
	v2 =	vmov s23  }
0xf: {  	s6 =	sadd.s32 s6, s0;
	s17 =	sor.u32 $0x5, s5;
	s0 =	sor.u32 $0x6, s5;
	v4 =	vmov s7;
	v9 =	vmov s8;
	v11 =	vmov s9  }
0x10: {  	v14 =	vmov s17;
	v17 =	vmov s0;
	v20 =	vshll.u32 v19, $0x3  }
0x11: {  	v21 =	vand.u32 $0x7F, v19;
	v1 =	vand.u32 $0x7FFFFC00, v1;
	v3 =	vshll.u32 v2, $0x3  }
0x12: {  	v2 =	vand.u32 $0x79, v2;
	v5 =	vshll.u32 v4, $0x3;
	v6 =	vand.u32 $0x7A, v4  }
0x13: {  	v10 =	vshll.u32 v9, $0x3;
	v9 =	vand.u32 $0x7B, v9;
	v12 =	vshll.u32 v11, $0x3  }
0x14: {  	v11 =	vand.u32 $0x7C, v11;
	v15 =	vshll.u32 v14, $0x3;
	v16 =	vand.u32 $0x7D, v14  }
0x15: {  	s31 =	simm.s32 $0x3;
	s10 =	ssub.s32 $0x2, s4;
	v18 =	vshll.u32 v17, $0x3;
	v17 =	vand.u32 $0x7E, v17;
	v20 =	vand.u32 $0x7FFFFC00, v20  }
0x16: {  	s22 =	simm.s32 $0x80;
	s28 =	sshrl.u32 s10, $0x1;
	s5 =	sand.u32 $0x70, s24;
	v0 =	vor.u32 v0, v1;
	v3 =	vand.u32 $0x7FFFFC00, v3;
	v5 =	vand.u32 $0x7FFFFC00, v5  }
0x17: {  	s21 =	ssub.s32 s10, s28;
	s26 =	sadd.s32 s5, s6;
	s29 =	sshrl.u32 s25, $0x3;
	v10 =	vand.u32 $0x7FFFFC00, v10;
	v12 =	vand.u32 $0x7FFFFC00, v12;
	v15 =	vand.u32 $0x7FFFFC00, v15  }
0x18: {  	s21 =	smax.u32 s21, $0x1;
	s23 =	simm.s32 $0x400;
	s4 =	sadd.s32 $0xA00, s26;
	v18 =	vand.u32 $0x7FFFFC00, v18;
	v20 =	vor.u32 v21, v20;
	v1 =	vor.u32 $0x80, v0  }
0x19: {  	s0 =	simm.s32 $0x1;
	s2 =	sadd.s32 s29, s2;
	[dreg:$0x4] =	wrdreg s4;
	v2 =	vor.u32 v2, v3;
	v3 =	vor.u32 $0x100, v0;
	v5 =	vor.u32 v6, v5  }
0x1a: {  	s30 =	sadd.s32 $0x1870, s2;
	s6 =	sadd.s32 $0x1860, s2;
	s7 =	sadd.s32 $0x1850, s2;
	v9 =	vor.u32 v9, v10;
	v11 =	vor.u32 v11, v12;
	v15 =	vor.u32 v16, v15  }
0x1b: {  	s8 =	sadd.s32 $0x1840, s2;
	s9 =	sadd.s32 $0x1830, s2;
	s10 =	sadd.s32 $0x1820, s2;
	v17 =	vor.u32 v17, v18;
	v22 =	vor.u32 $0x80, v20;
	v23 =	vor.u32 $0x100, v20  }
0x1c: {  	s11 =	sadd.s32 $0x1810, s2;
	s12 =	sadd.s32 $0x1800, s2;
	s13 =	sadd.s32 $0x7F0, s2;
	v4 =	vor.u32 $0x80, v2;
	v6 =	vor.u32 $0x100, v2;
	v7 =	vor.u32 $0x80, v5  }
0x1d: {  	s14 =	sadd.s32 $0x7E0, s2;
	s15 =	sadd.s32 $0x7D0, s2;
	s16 =	sadd.s32 $0x7C0, s2;
	v8 =	vor.u32 $0x100, v5;
	v10 =	vor.u32 $0x80, v9;
	v12 =	vor.u32 $0x100, v9  }
0x1e: {  	s17 =	sadd.s32 $0x7B0, s2;
	s18 =	sadd.s32 $0x7A0, s2;
	s19 =	sadd.s32 $0x790, s2;
	v13 =	vor.u32 $0x80, v11;
	v14 =	vor.u32 $0x100, v11;
	v16 =	vor.u32 $0x80, v15  }
0x1f: {  	s20 =	sadd.s32 $0x780, s2;
	s2 =	simm.s32 $0x2;
	[dreg:$0x5] =	wrdreg s30;
	v18 =	vor.u32 $0x100, v15;
	v19 =	vor.u32 $0x80, v17;
	v21 =	vor.u32 $0x100, v17  }
.LBB2_2:
0x20: {  	s1 =	simm.s32 $0x800  }
0x21: {  	[tilespmem:s1], [sflag:$0x1] =	stream.strided.gather [hbm4b:s20+s22], $0x1080, s23, s22, $0x38;
	[tilespmem:$0x12C00] =	vst v63  }
0x22: {  	s25 =	simm.s32 $0x2880  }
0x23: {  	[tilespmem:s25], [sflag:$0x1] =	stream.strided.gather [hbm4b:s19+s22], $0x1080, s23, s22, $0x38;
	[tilespmem:$0x12C00] =	vst v63  }
0x24: {  	s26 =	simm.s32 $0x4900  }
0x25: {  	[tilespmem:s26], [sflag:$0x1] =	stream.strided.gather [hbm4b:s18+s22], $0x1080, s23, s22, $0x38;
	[tilespmem:$0x12C00] =	vst v63  }
0x26: {  	s30 =	simm.s32 $0x6980  }
0x27: {  	[tilespmem:s30], [sflag:$0x1] =	stream.strided.gather [hbm4b:s17+s22], $0x1080, s23, s22, $0x38;
	[tilespmem:$0x12C00] =	vst v63  }
0x28: {  	s4 =	simm.s32 $0x8A00  }
0x29: {  	[tilespmem:s4], [sflag:$0x1] =	stream.strided.gather [hbm4b:s16+s22], $0x1080, s23, s22, $0x38;
	[tilespmem:$0x12C00] =	vst v63  }
0x2a: {  	s5 =	simm.s32 $0xAA80  }
0x2b: {  	[tilespmem:s5], [sflag:$0x1] =	stream.strided.gather [hbm4b:s15+s22], $0x1080, s23, s22, $0x38;
	[tilespmem:$0x12C00] =	vst v63  }
0x2c: {  	s24 =	simm.s32 $0xCB00  }
0x2d: {  	[tilespmem:s24], [sflag:$0x1] =	stream.strided.gather [hbm4b:s14+s22], $0x1080, s23, s22, $0x38;
	[tilespmem:$0x12C00] =	vst v63  }
0x2e: {  	s25 =	simm.s32 $0xEB80  }
0x2f: {  	[tilespmem:s25], [sflag:$0x1] =	stream.strided.gather [hbm4b:s13+s22], $0x1080, s23, s22, $0x38;
	[tilespmem:$0x12C00] =	vst v63  }
0x30: {  	s26 =	simm.s32 $0x1880  }
0x31: {  	[tilespmem:s26], [sflag:$0x2] =	stream.strided.gather [hbm4b:s12+s22], $0x1000, s23, s22, $0x38;
	[tilespmem:$0x12C00] =	vst v63  }
0x32: {  	s30 =	simm.s32 $0x3900  }
0x33: {  	[tilespmem:s30], [sflag:$0x2] =	stream.strided.gather [hbm4b:s11+s22], $0x1000, s23, s22, $0x38;
	[tilespmem:$0x12C00] =	vst v63  }
0x34: {  	s4 =	simm.s32 $0x5980  }
0x35: {  	[tilespmem:s4], [sflag:$0x2] =	stream.strided.gather [hbm4b:s10+s22], $0x1000, s23, s22, $0x38;
	[tilespmem:$0x12C00] =	vst v63  }
0x36: {  	s5 =	simm.s32 $0x7A00  }
0x37: {  	[tilespmem:s5], [sflag:$0x2] =	stream.strided.gather [hbm4b:s9+s22], $0x1000, s23, s22, $0x38;
	[tilespmem:$0x12C00] =	vst v63  }
0x38: {  	s24 =	simm.s32 $0x9A80  }
0x39: {  	[tilespmem:s24], [sflag:$0x2] =	stream.strided.gather [hbm4b:s8+s22], $0x1000, s23, s22, $0x38;
	[tilespmem:$0x12C00] =	vst v63  }
0x3a: {  	s25 =	simm.s32 $0xBB00  }
0x3b: {  	[tilespmem:s25], [sflag:$0x2] =	stream.strided.gather [hbm4b:s7+s22], $0x1000, s23, s22, $0x38;
	[tilespmem:$0x12C00] =	vst v63  }
0x3c: {  	s26 =	simm.s32 $0xDB80  }
0x3d: {  	[tilespmem:s26], [sflag:$0x2] =	stream.strided.gather [hbm4b:s6+s22], $0x1000, s23, s22, $0x38;
	[tilespmem:$0x12C00] =	vst v63  }
0x3e: {  	s30 =	rddreg [dreg:$0x5];
	s4 =	simm.s32 $0xFC00  }
0x3f: {  	[tilespmem:s4], [sflag:$0x2] =	stream.strided.gather [hbm4b:s30+s22], $0x1000, s23, s22, $0x38;
	[tilespmem:$0x12C00] =	vst v63  }
0x40: {  	s5 =	rddreg [dreg:$0x0];
	s24 =	simm.s32 $0x0  }
0x41: {  	[tilespmem:s24], [sflag:$0x3] =	stream.linear.gather [hbm4b:s5+s24], $0x800, $0x38;
	[tilespmem:$0x12C00] =	vst v63  }
0x42: {  	_ =	swait.ge [sflag:s31], $0x800  }
0x43: {  	[sflag:s31] =	ssyncset.done $0x0  }
0x44: {  	[sflag:s31] =	ssyncadd.s32 $0xFFFFF800  }
0x45: {  	v24 =	vld.idx.msk [tilespmem:v0+s24+$0x0], $0xffff  }
0x46: {  	v25 =	vld.idx.msk [tilespmem:v2+s24+$0x0], $0xffff  }
0x47: {  	v26 =	vld.idx.msk [tilespmem:v5+s24+$0x0], $0xffff  }
0x48: {  	v27 =	vld.idx.msk [tilespmem:v9+s24+$0x0], $0xffff  }
0x49: {  	v28 =	vld.idx.msk [tilespmem:v11+s24+$0x0], $0xffff  }
0x4a: {  	v29 =	vld.idx.msk [tilespmem:v15+s24+$0x0], $0xffff;
	v24 =	vtrunc.f32 v24  }
0x4b: {  	v30 =	vld.idx.msk [tilespmem:v17+s24+$0x0], $0xffff;
	v25 =	vtrunc.f32 v25;
	v24 =	vcvt.f32.s32 v24  }
0x4c: {  	v26 =	vtrunc.f32 v26;
	v25 =	vcvt.f32.s32 v25  }
0x4d: {  	v31 =	vld.idx.msk [tilespmem:v20+s24+$0x0], $0xffff;
	v27 =	vtrunc.f32 v27;
	v26 =	vcvt.f32.s32 v26;
	v24 =	vxor.u32 $0x80000000, v24  }
0x4e: {  	(xrf0) =	vmax.scan.msk.u32 $0xffff, v24;
	v24 =	vxor.u32 $0x80000000, v25;
	v25 =	vcvt.f32.s32 v27;
	v27 =	vtrunc.f32 v28  }
0x4f: {  	(xrf0) =	vmax.scan.msk.u32 $0xffff, v24;
	v24 =	vxor.u32 $0x80000000, v26;
	v26 =	vcvt.f32.s32 v27;
	v27 =	vtrunc.f32 v29  }
0x50: {  	(xrf0) =	vmax.scan.msk.u32 $0xffff, v24;
	v24 =	vxor.u32 $0x80000000, v25;
	v25 =	vcvt.f32.s32 v27;
	v27 =	vtrunc.f32 v30  }
0x51: {  	(xrf0) =	vmax.scan.msk.u32 $0xffff, v24;
	v24 =	vxor.u32 $0x80000000, v26;
	v26 =	vcvt.f32.s32 v27  }
0x52: {  	v27 =	vtrunc.f32 v31  }
0x53: {  	(xrf0) =	vmax.scan.msk.u32 $0xffff, v24;
	v24 =	vxor.u32 $0x80000000, v25;
	v25 =	vcvt.f32.s32 v27  }
0x54: {  	(xrf0) =	vmax.scan.msk.u32 $0xffff, v24;
	v24 =	vxor.u32 $0x80000000, v26  }
0x55: {  	v26, _, _ =	vpop (xrf0);
	(xrf0) =	vmax.scan.msk.u32 $0xffff, v24;
	v24 =	vxor.u32 $0x80000000, v25;
	_ =	sdelay $0x1  }
0x56: {  	(v2sf) =	vpush v26, $0xF;
	v25, _, _ =	vpop (xrf0);
	(xrf0) =	vmax.scan.msk.u32 $0xffff, v24  }
0x57: {  	(v2sf) =	vpush v25, $0xF;
	v24, _, _ =	vpop (xrf0)  }
0x58: {  	v25, _, _ =	vpop (xrf0);
	(v2sf) =	vpush v24, $0xF  }
0x59: {  	v24, _, _ =	vpop (xrf0);
	(v2sf) =	vpush v25, $0xF  }
0x5a: {  	v25, _, _ =	vpop (xrf0);
	(v2sf) =	vpush v24, $0xF  }
0x5b: {  	v24, _, _ =	vpop (xrf0);
	(v2sf) =	vpush v25, $0xF  }
0x5c: {  	(v2sf) =	vpush v24, $0xF;
	v25, _, _ =	vpop (xrf0)  }
0x5d: {  	(v2sf) =	vpush v25, $0xF  }
0x5e: {  	v32 =	vld.idx.msk [tilespmem:v12+s24+$0x0], $0xffff  }
0x5f: {  	v33 =	vld.idx.msk [tilespmem:v13+s24+$0x0], $0xffff  }
0x60: {  	v35 =	vld.idx.msk [tilespmem:v14+s24+$0x0], $0xffff  }
0x61: {  	v37 =	vld.idx.msk [tilespmem:v16+s24+$0x0], $0xffff  }
0x62: {  	v38 =	vld.idx.msk [tilespmem:v18+s24+$0x0], $0xffff  }
0x63: {  	v34 =	vld.idx.msk [tilespmem:v19+s24+$0x0], $0xffff  }
0x64: {  	v39 =	vld.idx.msk [tilespmem:v21+s24+$0x0], $0xffff  }
0x65: {  	v36 =	vld.idx.msk [tilespmem:v23+s24+$0x0], $0xffff;
	s25 =	spop (v2sf)  }
0x66: {  	v28 =	vld.idx.msk [tilespmem:v7+s24+$0x0], $0xffff;
	s26 =	spop (v2sf)  }
0x67: {  	v29 =	vld.idx.msk [tilespmem:v8+s24+$0x0], $0xffff;
	s1 =	spop (v2sf)  }
0x68: {  	v30 =	vld.idx.msk [tilespmem:v22+s24+$0x0], $0xffff;
	s4 =	spop (v2sf)  }
0x69: {  	v31 =	vld.idx.msk [tilespmem:v10+s24+$0x0], $0xffff;
	s5 =	spop (v2sf)  }
0x6a: {  	v27 =	vld.idx.msk [tilespmem:v6+s24+$0x0], $0xffff;
	s30 =	spop (v2sf)  }
0x6b: {  	v26 =	vld.idx.msk [tilespmem:v4+s24+$0x0], $0xffff;
	s29 =	spop (v2sf)  }
0x6c: {  	v24 =	vld.idx.msk [tilespmem:v1+s24+$0x0], $0xffff;
	s28 =	spop (v2sf)  }
0x6d: {  	v25 =	vld.idx.msk [tilespmem:v3+s24+$0x0], $0xffff;
	_ =	swait.ge [sflag:s0], $0x1080  }
0x6e: {  	[sflag:s0] =	ssyncset.done $0x0  }
0x6f: {  	[sflag:s0] =	ssyncadd.s32 $0xFFFFEF80  }
0x70: {  	_ =	swait.ge [sflag:s0], $0x1080  }
0x71: {  	[sflag:s0] =	ssyncset.done $0x0  }
0x72: {  	[sflag:s0] =	ssyncadd.s32 $0xFFFFEF80  }
0x73: {  	_ =	swait.ge [sflag:s0], $0x1080  }
0x74: {  	[sflag:s0] =	ssyncset.done $0x0  }
0x75: {  	[sflag:s0] =	ssyncadd.s32 $0xFFFFEF80  }
0x76: {  	_ =	swait.ge [sflag:s0], $0x1080  }
0x77: {  	[sflag:s0] =	ssyncset.done $0x0  }
0x78: {  	[sflag:s0] =	ssyncadd.s32 $0xFFFFEF80  }
0x79: {  	_ =	swait.ge [sflag:s0], $0x1080  }
0x7a: {  	[sflag:s0] =	ssyncset.done $0x0  }
0x7b: {  	[sflag:s0] =	ssyncadd.s32 $0xFFFFEF80  }
0x7c: {  	s25 =	sshll.u32 s25, $0x2;
	_ =	swait.ge [sflag:s0], $0x1080  }
0x7d: {  	s24 =	ssub.s32 $0x0, s25;
	[sflag:s0] =	ssyncset.done $0x0  }
0x7e: {  	s24 =	sshra.s32 s24, $0x2;
	[sflag:s0] =	ssyncadd.s32 $0xFFFFEF80  }
0x7f: {  	s25 =	sadd.s32 $0x87F, s24;
	_ =	swait.ge [sflag:s0], $0x1080  }
0x80: {  	s26 =	sshll.u32 s26, $0x2;
	v46 =	vmov s25;
	[sflag:s0] =	ssyncset.done $0x0  }
0x81: {  	s26 =	ssub.s32 $0x0, s26;
	[sflag:s0] =	ssyncadd.s32 $0xFFFFEF80  }
0x82: {  	s25 =	sshra.s32 s26, $0x2;
	_ =	swait.ge [sflag:s0], $0x1080  }
0x83: {  	s26 =	sadd.s32 $0x2910, s25;
	[sflag:s0] =	ssyncset.done $0x0  }
0x84: {  	s1 =	sshll.u32 s1, $0x2;
	v47 =	vmov s26;
	s26 =	simm.s32 $0x0;
	[sflag:s0] =	ssyncadd.s32 $0xFFFFEF80  }
0x85: {  	s1 =	ssub.s32 $0x0, s1;
	v41 =	vld.idx.msk [tilespmem:v46+s26+$0x11 ss:$0x1], $0xffff  }
0x86: {  	s1 =	sshra.s32 s1, $0x2;
	v42 =	vld.idx.msk [tilespmem:v46+s26+$0x1 ss:$0x1], $0xffff  }
0x87: {  	s1 =	sadd.s32 $0x800, s1;
	v43 =	vld.idx.msk [tilespmem:v46+s26+$0x10 ss:$0x1], $0xffff  }
0x88: {  	s4 =	sshll.u32 s4, $0x2;
	v40 =	vmov s1;
	v44 =	vld.idx.msk [tilespmem:v46+s26+$0x0 ss:$0x1], $0xffff  }
0x89: {  	s1 =	ssub.s32 $0x0, s4;
	v45 =	vld.idx.msk [tilespmem:v47+s26+$0x0 ss:$0x1], $0xffff  }
0x8a: {  	s1 =	sshra.s32 s1, $0x2;
	v48 =	vld.idx.msk [tilespmem:v47+s26+$0xFFFFFFF0 ss:$0x1], $0xffff  }
0x8b: {  	s1 =	sadd.s32 $0x800, s1;
	v50 =	vld.idx.msk [tilespmem:v47+s26+$0xFFFFFFFF ss:$0x1], $0xffff;
	v49 =	vmul.f32 v41, v25  }
0x8c: {  	s5 =	sshll.u32 s5, $0x2;
	v51 =	vld.idx.msk [tilespmem:v47+s26+$0xFFFFFFEF ss:$0x1], $0xffff;
	v41 =	vmov s1;
	v42 =	vmul.f32 v42, v25  }
0x8d: {  	v52 =	vld.idx.msk [tilespmem:v40+s26+$0x4190 ss:$0x1], $0xffff;
	s1 =	ssub.s32 $0x0, s5;
	v43 =	vmul.f32 v43, v24;
	v49 =	vadd.f32 $0.0e+00, v49  }
0x8e: {  	v54 =	vld.idx.msk [tilespmem:v40+s26+$0x4180 ss:$0x1], $0xffff;
	v44 =	vmul.f32 v44, v24;
	s1 =	sshra.s32 s1, $0x2;
	v53 =	vadd.f32 $0.0e+00, v42  }
0x8f: {  	v57 =	vld.idx.msk [tilespmem:v40+s26+$0x418F ss:$0x1], $0xffff;
	v45 =	vmul.f32 v45, v27;
	s1 =	sadd.s32 $0x800, s1;
	v43 =	vadd.f32 v43, v49  }
0x90: {  	s30 =	sshll.u32 s30, $0x2;
	v58 =	vld.idx.msk [tilespmem:v40+s26+$0x417F ss:$0x1], $0xffff;
	v48 =	vmul.f32 v48, v27;
	v42 =	vmov s1;
	v44 =	vadd.f32 v44, v53  }
0x91: {  	v62 =	vmul.f32 v50, v26;
	s1 =	ssub.s32 $0x0, s30;
	v63 =	vld.idx.msk [tilespmem:v41+s26+$0x6210 ss:$0x1], $0xffff;
	v43 =	vadd.f32 v45, v43  }
0x92: {  	v59 =	vmul.f32 v51, v26;
	s1 =	sshra.s32 s1, $0x2;
	v51 =	vld.idx.msk [tilespmem:v41+s26+$0x6200 ss:$0x1], $0xffff;
	v44 =	vadd.f32 v48, v44  }
0x93: {  	v52 =	vmul.f32 v52, v29;
	s1 =	sadd.s32 $0x800, s1;
	v55 =	vld.idx.msk [tilespmem:v41+s26+$0x620F ss:$0x1], $0xffff;
	v45 =	vadd.f32 v62, v43  }
0x94: {  	s4 =	sshll.u32 s29, $0x2;
	v60 =	vmul.f32 v54, v29;
	v61 =	vld.idx.msk [tilespmem:v41+s26+$0x61FF ss:$0x1], $0xffff;
	v43 =	vmov s1;
	v44 =	vadd.f32 v59, v44  }
0x95: {  	v49 =	vmul.f32 v57, v28;
	s1 =	ssub.s32 $0x0, s4;
	v56 =	vld.idx.msk [tilespmem:v42+s26+$0x8280 ss:$0x1], $0xffff;
	v45 =	vadd.f32 v52, v45  }
0x96: {  	v53 =	vmul.f32 v58, v28;
	s1 =	sshra.s32 s1, $0x2;
	v52 =	vld.idx.msk [tilespmem:v42+s26+$0x8290 ss:$0x1], $0xffff;
	v48 =	vadd.f32 v60, v44  }
0x97: {  	s1 =	sadd.s32 $0x800, s1;
	v62 =	vmul.f32 v63, v32;
	v63 =	vld.idx.msk [tilespmem:v42+s26+$0x828F ss:$0x1], $0xffff;
	v45 =	vadd.f32 v49, v45  }
0x98: {  	s5 =	sshll.u32 s28, $0x2;
	v51 =	vmul.f32 v51, v32;
	v44 =	vmov s1;
	v48 =	vadd.f32 v53, v48;
	v53 =	vld.idx.msk [tilespmem:v42+s26+$0x827F ss:$0x1], $0xffff  }
0x99: {  	s30 =	ssub.s32 $0x0, s5;
	v59 =	vmul.f32 v55, v31;
	v55 =	vld.idx.msk [tilespmem:v43+s26+$0xA310 ss:$0x1], $0xffff;
	v45 =	vadd.f32 v62, v45  }
0x9a: {  	v60 =	vmul.f32 v61, v31;
	s1 =	sshra.s32 s30, $0x2;
	v61 =	vld.idx.msk [tilespmem:v43+s26+$0xA300 ss:$0x1], $0xffff;
	v48 =	vadd.f32 v51, v48  }
0x9b: {  	s1 =	sadd.s32 $0x800, s1;
	v57 =	vld.idx.msk [tilespmem:v43+s26+$0xA30F ss:$0x1], $0xffff;
	v52 =	vmul.f32 v52, v35;
	v49 =	vadd.f32 v59, v45  }
0x9c: {  	v62 =	vmul.f32 v56, v35;
	v56 =	vld.idx.msk [tilespmem:v43+s26+$0xA2FF ss:$0x1], $0xffff;
	v45 =	vmov s1;
	v48 =	vadd.f32 v60, v48  }
0x9d: {  	v63 =	vmul.f32 v63, v33;
	v58 =	vld.idx.msk [tilespmem:v44+s26+$0xC390 ss:$0x1], $0xffff;
	v49 =	vadd.f32 v52, v49  }
0x9e: {  	v50 =	vld.idx.msk [tilespmem:v44+s26+$0xC380 ss:$0x1], $0xffff;
	v53 =	vmul.f32 v53, v33;
	v51 =	vadd.f32 v62, v48  }
0x9f: {  	v55 =	vmul.f32 v55, v38;
	v48 =	vld.idx.msk [tilespmem:v44+s26+$0xC38F ss:$0x1], $0xffff;
	v52 =	vadd.f32 v63, v49  }
0xa0: {  	v54 =	vmul.f32 v61, v38;
	v53 =	vadd.f32 v53, v51;
	v49 =	vld.idx.msk [tilespmem:v44+s26+$0xC37F ss:$0x1], $0xffff  }
0xa1: {  	v60 =	vmul.f32 v57, v37;
	v51 =	vld.idx.msk [tilespmem:v45+s26+$0xE410 ss:$0x1], $0xffff;
	v59 =	vadd.f32 v55, v52  }
0xa2: {  	v57 =	vmul.f32 v56, v37;
	v55 =	vadd.f32 v54, v53;
	v52 =	vld.idx.msk [tilespmem:v45+s26+$0xE400 ss:$0x1], $0xffff  }
0xa3: {  	s29 =	simm.s32 $0x80;
	s28 =	simm.s32 $0x0;
	v56 =	vmul.f32 v58, v39;
	v53 =	vld.idx.msk [tilespmem:v45+s26+$0xE40F ss:$0x1], $0xffff;
	v54 =	vadd.f32 v60, v59  }
.LBB2_3:
0xa4: {  	s1 =	sshra.s32 s29, $0x2;
	s28 =	sadd.s32 $0x2, s28;
	v55 =	vadd.f32 v57, v55;
	v50 =	vmul.f32 v50, v39;
	v57 =	vld.idx.msk [tilespmem:v45+s26+$0xE3FF ss:$0x1], $0xffff  }
0xa5: {  	v48 =	vmul.f32 v48, v34;
	v58 =	vld.idx.msk [tilespmem:v46+s1+$0x11 ss:$0x1], $0xffff;
	p0 =	slt.u32 s28, $0xFE;
	v54 =	vadd.f32 v56, v54  }
0xa6: {  	v49 =	vmul.f32 v49, v34;
	v56 =	vld.idx.msk [tilespmem:v46+s1+$0x1 ss:$0x1], $0xffff;
	v50 =	vadd.f32 v50, v55  }
0xa7: {  	v51 =	vmul.f32 v51, v36;
	v55 =	vld.idx.msk [tilespmem:v46+s1+$0x10 ss:$0x1], $0xffff;
	v48 =	vadd.f32 v48, v54  }
0xa8: {  	v54 =	vld.idx.msk [tilespmem:v46+s1+$0x0 ss:$0x1], $0xffff;
	v49 =	vadd.f32 v49, v50;
	v50 =	vmul.f32 v52, v36  }
0xa9: {  	v52 =	vld.idx.msk [tilespmem:v47+s1+$0x0 ss:$0x1], $0xffff;
	v48 =	vadd.f32 v51, v48;
	v51 =	vmul.f32 v53, v30  }
0xaa: {  	v53 =	vld.idx.msk [tilespmem:v47+s1+$0xFFFFFFF0 ss:$0x1], $0xffff;
	v49 =	vadd.f32 v50, v49;
	v50 =	vmul.f32 v57, v30  }
0xab: {  	v57 =	vmul.f32 v58, v25;
	v58 =	vld.idx.msk [tilespmem:v47+s1+$0xFFFFFFFF ss:$0x1], $0xffff;
	v48 =	vadd.f32 v51, v48  }
0xac: {  	v51 =	vmul.f32 v56, v25;
	v56 =	vld.idx.msk [tilespmem:v47+s1+$0xFFFFFFEF ss:$0x1], $0xffff;
	v49 =	vadd.f32 v50, v49  }
0xad: {  	v50 =	vadd.f32 $0.0e+00, v57;
	v55 =	vmul.f32 v55, v24;
	v57 =	vld.idx.msk [tilespmem:v40+s1+$0x4190 ss:$0x1], $0xffff;
	[tilespmem:s26+$0x10C10] =	vst v48  }
0xae: {  	v48 =	vadd.f32 $0.0e+00, v51;
	v51 =	vmul.f32 v54, v24;
	v54 =	vld.idx.msk [tilespmem:v40+s1+$0x4180 ss:$0x1], $0xffff;
	[tilespmem:s26+$0x10C00] =	vst v49;
	s26 =	smov.u32 s1  }
0xaf: {  	v49 =	vadd.f32 v55, v50;
	v50 =	vmul.f32 v52, v27;
	v52 =	vld.idx.msk [tilespmem:v40+s26+$0x418F ss:$0x1], $0xffff  }
0xb0: {  	v48 =	vadd.f32 v51, v48;
	v51 =	vmul.f32 v53, v27;
	v53 =	vld.idx.msk [tilespmem:v40+s26+$0x417F ss:$0x1], $0xffff  }
0xb1: {  	v49 =	vadd.f32 v50, v49;
	v50 =	vmul.f32 v58, v26;
	v55 =	vld.idx.msk [tilespmem:v41+s26+$0x6210 ss:$0x1], $0xffff  }
0xb2: {  	v48 =	vadd.f32 v51, v48;
	v51 =	vmul.f32 v56, v26;
	v56 =	vld.idx.msk [tilespmem:v41+s26+$0x6200 ss:$0x1], $0xffff  }
0xb3: {  	v49 =	vadd.f32 v50, v49;
	v50 =	vmul.f32 v57, v29;
	v57 =	vld.idx.msk [tilespmem:v41+s26+$0x620F ss:$0x1], $0xffff  }
0xb4: {  	v48 =	vadd.f32 v51, v48;
	v51 =	vmul.f32 v54, v29;
	v54 =	vld.idx.msk [tilespmem:v41+s26+$0x61FF ss:$0x1], $0xffff  }
0xb5: {  	v49 =	vadd.f32 v50, v49;
	v50 =	vmul.f32 v52, v28;
	v52 =	vld.idx.msk [tilespmem:v42+s26+$0x8290 ss:$0x1], $0xffff  }
0xb6: {  	v48 =	vadd.f32 v51, v48;
	v51 =	vmul.f32 v53, v28;
	v53 =	vld.idx.msk [tilespmem:v42+s26+$0x8280 ss:$0x1], $0xffff  }
0xb7: {  	v49 =	vadd.f32 v50, v49;
	v50 =	vmul.f32 v55, v32;
	v55 =	vld.idx.msk [tilespmem:v42+s26+$0x828F ss:$0x1], $0xffff  }
0xb8: {  	v48 =	vadd.f32 v51, v48;
	v51 =	vmul.f32 v56, v32;
	v56 =	vld.idx.msk [tilespmem:v42+s26+$0x827F ss:$0x1], $0xffff  }
0xb9: {  	v49 =	vadd.f32 v50, v49;
	v50 =	vmul.f32 v57, v31;
	v57 =	vld.idx.msk [tilespmem:v43+s26+$0xA310 ss:$0x1], $0xffff  }
0xba: {  	v48 =	vadd.f32 v51, v48;
	v51 =	vmul.f32 v54, v31;
	v54 =	vld.idx.msk [tilespmem:v43+s26+$0xA300 ss:$0x1], $0xffff  }
0xbb: {  	v49 =	vadd.f32 v50, v49;
	v50 =	vmul.f32 v52, v35;
	v52 =	vld.idx.msk [tilespmem:v43+s26+$0xA30F ss:$0x1], $0xffff  }
0xbc: {  	v48 =	vadd.f32 v51, v48;
	v51 =	vmul.f32 v53, v35;
	v53 =	vld.idx.msk [tilespmem:v43+s26+$0xA2FF ss:$0x1], $0xffff  }
0xbd: {  	v49 =	vadd.f32 v50, v49;
	v55 =	vmul.f32 v55, v33;
	v58 =	vld.idx.msk [tilespmem:v44+s26+$0xC390 ss:$0x1], $0xffff  }
0xbe: {  	v51 =	vadd.f32 v51, v48;
	v56 =	vmul.f32 v56, v33;
	v50 =	vld.idx.msk [tilespmem:v44+s26+$0xC380 ss:$0x1], $0xffff  }
.Ltmp1:
0xbf: {  	v55 =	vadd.f32 v55, v49;
	v57 =	vmul.f32 v57, v38;
	v48 =	vld.idx.msk [tilespmem:v44+s26+$0xC38F ss:$0x1], $0xffff;
	(pc) =	sbr.rel @p0 .LBB2_3-.Ltmp1, $4  }
0xc0: {  	v56 =	vadd.f32 v56, v51;
	v54 =	vmul.f32 v54, v38;
	v49 =	vld.idx.msk [tilespmem:v44+s26+$0xC37F ss:$0x1], $0xffff  }
0xc1: {  	v59 =	vadd.f32 v57, v55;
	v60 =	vmul.f32 v52, v37;
	v51 =	vld.idx.msk [tilespmem:v45+s26+$0xE410 ss:$0x1], $0xffff  }
0xc2: {  	v55 =	vadd.f32 v54, v56;
	v57 =	vmul.f32 v53, v37;
	v52 =	vld.idx.msk [tilespmem:v45+s26+$0xE400 ss:$0x1], $0xffff  }
0xc3: {  	s29 =	sadd.s32 $0x80, s29;
	v54 =	vadd.f32 v60, v59;
	v56 =	vmul.f32 v58, v39;
	v53 =	vld.idx.msk [tilespmem:v45+s26+$0xE40F ss:$0x1], $0xffff  }
0xc4: {  	_ =	sdelay $0x2  }
0xc5: {  	v46 =	vadd.f32 v57, v55;
	v47 =	vmul.f32 v50, v39  }
0xc6: {  	v63 =	vld.idx.msk [tilespmem:v45+s26+$0xE3FF ss:$0x1], $0xffff;
	v48 =	vmul.f32 v48, v34;
	v54 =	vadd.f32 v56, v54  }
0xc7: {  	v55 =	vmul.f32 v49, v34;
	v46 =	vadd.f32 v47, v46  }
0xc8: {  	v56 =	vmul.f32 v51, v36;
	v48 =	vadd.f32 v48, v54  }
0xc9: {  	v57 =	vmul.f32 v52, v36;
	v46 =	vadd.f32 v55, v46  }
0xca: {  	v58 =	vmul.f32 v53, v30;
	v48 =	vadd.f32 v56, v48  }
0xcb: {  	v59 =	vmul.f32 v63, v30;
	v46 =	vadd.f32 v57, v46  }
0xcc: {  	v48 =	vadd.f32 v58, v48  }
0xcd: {  	v46 =	vadd.f32 v59, v46  }
0xce: {  	[tilespmem:s26+$0x10C10] =	vst v48  }
0xcf: {  	[tilespmem:s26+$0x10C00] =	vst v46  }
0xd0: {  	_ =	swait.ge [sflag:s2], $0x1000  }
0xd1: {  	[sflag:s2] =	ssyncset.done $0x0  }
0xd2: {  	[sflag:s2] =	ssyncadd.s32 $0xFFFFF000  }
0xd3: {  	_ =	swait.ge [sflag:s2], $0x1000  }
0xd4: {  	[sflag:s2] =	ssyncset.done $0x0  }
0xd5: {  	[sflag:s2] =	ssyncadd.s32 $0xFFFFF000  }
0xd6: {  	_ =	swait.ge [sflag:s2], $0x1000  }
0xd7: {  	[sflag:s2] =	ssyncset.done $0x0  }
0xd8: {  	[sflag:s2] =	ssyncadd.s32 $0xFFFFF000  }
0xd9: {  	_ =	swait.ge [sflag:s2], $0x1000  }
0xda: {  	[sflag:s2] =	ssyncset.done $0x0  }
0xdb: {  	[sflag:s2] =	ssyncadd.s32 $0xFFFFF000  }
0xdc: {  	_ =	swait.ge [sflag:s2], $0x1000  }
0xdd: {  	[sflag:s2] =	ssyncset.done $0x0  }
0xde: {  	[sflag:s2] =	ssyncadd.s32 $0xFFFFF000  }
0xdf: {  	_ =	swait.ge [sflag:s2], $0x1000  }
0xe0: {  	[sflag:s2] =	ssyncset.done $0x0  }
0xe1: {  	[sflag:s2] =	ssyncadd.s32 $0xFFFFF000  }
0xe2: {  	s1 =	sadd.s32 $0x187F, s24;
	_ =	swait.ge [sflag:s2], $0x1000  }
0xe3: {  	v46 =	vmov s1;
	[sflag:s2] =	ssyncset.done $0x0  }
0xe4: {  	[sflag:s2] =	ssyncadd.s32 $0xFFFFF000  }
0xe5: {  	_ =	swait.ge [sflag:s2], $0x1000  }
0xe6: {  	s30 =	sadd.s32 $0x3910, s25;
	[sflag:s2] =	ssyncset.done $0x0  }
0xe7: {  	s24 =	simm.s32 $0x0;
	v47 =	vmov s30;
	[sflag:s2] =	ssyncadd.s32 $0xFFFFF000  }
0xe8: {  	v60 =	vld.idx.msk [tilespmem:v46+s24+$0x11 ss:$0x1], $0xffff  }
0xe9: {  	v61 =	vld.idx.msk [tilespmem:v46+s24+$0x1 ss:$0x1], $0xffff  }
0xea: {  	v62 =	vld.idx.msk [tilespmem:v46+s24+$0x10 ss:$0x1], $0xffff  }
0xeb: {  	v63 =	vld.idx.msk [tilespmem:v46+s24+$0x0 ss:$0x1], $0xffff  }
0xec: {  	v52 =	vld.idx.msk [tilespmem:v47+s24+$0x0 ss:$0x1], $0xffff  }
0xed: {  	v53 =	vld.idx.msk [tilespmem:v47+s24+$0xFFFFFFF0 ss:$0x1], $0xffff  }
0xee: {  	v54 =	vld.idx.msk [tilespmem:v41+s24+$0x7210 ss:$0x1], $0xffff;
	v48 =	vmul.f32 v60, v25  }
0xef: {  	v60 =	vld.idx.msk [tilespmem:v47+s24+$0xFFFFFFFF ss:$0x1], $0xffff;
	v49 =	vmul.f32 v61, v25  }
0xf0: {  	v61 =	vld.idx.msk [tilespmem:v47+s24+$0xFFFFFFEF ss:$0x1], $0xffff;
	v50 =	vmul.f32 v62, v24;
	v48 =	vadd.f32 $0.0e+00, v48  }
0xf1: {  	v62 =	vld.idx.msk [tilespmem:v40+s24+$0x5190 ss:$0x1], $0xffff;
	v51 =	vmul.f32 v63, v24;
	v49 =	vadd.f32 $0.0e+00, v49  }
0xf2: {  	v63 =	vld.idx.msk [tilespmem:v40+s24+$0x5180 ss:$0x1], $0xffff;
	v58 =	vmul.f32 v52, v27;
	v48 =	vadd.f32 v50, v48  }
0xf3: {  	v52 =	vld.idx.msk [tilespmem:v40+s24+$0x518F ss:$0x1], $0xffff;
	v59 =	vmul.f32 v53, v27;
	v49 =	vadd.f32 v51, v49  }
0xf4: {  	v53 =	vld.idx.msk [tilespmem:v40+s24+$0x517F ss:$0x1], $0xffff;
	v60 =	vmul.f32 v60, v26;
	v48 =	vadd.f32 v58, v48  }
0xf5: {  	v55 =	vld.idx.msk [tilespmem:v41+s24+$0x7200 ss:$0x1], $0xffff;
	v61 =	vmul.f32 v61, v26;
	v49 =	vadd.f32 v59, v49  }
0xf6: {  	v56 =	vld.idx.msk [tilespmem:v41+s24+$0x720F ss:$0x1], $0xffff;
	v62 =	vmul.f32 v62, v29;
	v48 =	vadd.f32 v60, v48  }
0xf7: {  	v57 =	vld.idx.msk [tilespmem:v41+s24+$0x71FF ss:$0x1], $0xffff;
	v63 =	vmul.f32 v63, v29;
	v49 =	vadd.f32 v61, v49  }
0xf8: {  	v50 =	vld.idx.msk [tilespmem:v44+s24+$0xD380 ss:$0x1], $0xffff;
	v60 =	vmul.f32 v52, v28;
	v48 =	vadd.f32 v62, v48  }
0xf9: {  	v52 =	vld.idx.msk [tilespmem:v42+s24+$0x9290 ss:$0x1], $0xffff;
	v61 =	vmul.f32 v53, v28;
	v49 =	vadd.f32 v63, v49  }
0xfa: {  	v53 =	vld.idx.msk [tilespmem:v42+s24+$0x9280 ss:$0x1], $0xffff;
	v62 =	vmul.f32 v54, v32;
	v48 =	vadd.f32 v60, v48  }
0xfb: {  	v54 =	vld.idx.msk [tilespmem:v42+s24+$0x928F ss:$0x1], $0xffff;
	v63 =	vmul.f32 v55, v32;
	v49 =	vadd.f32 v61, v49  }
0xfc: {  	v55 =	vld.idx.msk [tilespmem:v42+s24+$0x927F ss:$0x1], $0xffff;
	v60 =	vmul.f32 v56, v31;
	v48 =	vadd.f32 v62, v48  }
0xfd: {  	v56 =	vld.idx.msk [tilespmem:v43+s24+$0xB310 ss:$0x1], $0xffff;
	v61 =	vmul.f32 v57, v31;
	v49 =	vadd.f32 v63, v49  }
0xfe: {  	v57 =	vld.idx.msk [tilespmem:v43+s24+$0xB300 ss:$0x1], $0xffff;
	v62 =	vmul.f32 v52, v35;
	v48 =	vadd.f32 v60, v48  }
0xff: {  	v52 =	vld.idx.msk [tilespmem:v43+s24+$0xB30F ss:$0x1], $0xffff;
	v63 =	vmul.f32 v53, v35;
	v49 =	vadd.f32 v61, v49  }
0x100: {  	v54 =	vmul.f32 v54, v33;
	v60 =	vld.idx.msk [tilespmem:v43+s24+$0xB2FF ss:$0x1], $0xffff;
	v48 =	vadd.f32 v62, v48  }
0x101: {  	v58 =	vld.idx.msk [tilespmem:v44+s24+$0xD390 ss:$0x1], $0xffff;
	v61 =	vmul.f32 v55, v33;
	v49 =	vadd.f32 v63, v49  }
0x102: {  	v51 =	vld.idx.msk [tilespmem:v45+s24+$0xF410 ss:$0x1], $0xffff;
	v62 =	vmul.f32 v56, v38;
	v54 =	vadd.f32 v54, v48  }
0x103: {  	v57 =	vmul.f32 v57, v38;
	v48 =	vld.idx.msk [tilespmem:v44+s24+$0xD38F ss:$0x1], $0xffff;
	v63 =	vadd.f32 v61, v49  }
0x104: {  	v59 =	vmul.f32 v52, v37;
	v49 =	vld.idx.msk [tilespmem:v44+s24+$0xD37F ss:$0x1], $0xffff;
	v54 =	vadd.f32 v62, v54  }
0x105: {  	v53 =	vld.idx.msk [tilespmem:v45+s24+$0xF40F ss:$0x1], $0xffff;
	v55 =	vadd.f32 v57, v63;
	v57 =	vmul.f32 v60, v37  }
0x106: {  	s25 =	simm.s32 $0x100;
	s26 =	simm.s32 $0x80;
	v56 =	vmul.f32 v58, v39;
	v52 =	vld.idx.msk [tilespmem:v45+s24+$0xF400 ss:$0x1], $0xffff;
	v54 =	vadd.f32 v59, v54  }
.LBB2_5:
0x107: {  	s1 =	sshra.s32 s26, $0x2;
	s25 =	sadd.s32 $0x2, s25;
	v55 =	vadd.f32 v57, v55;
	v50 =	vmul.f32 v50, v39;
	v57 =	vld.idx.msk [tilespmem:v45+s24+$0xF3FF ss:$0x1], $0xffff  }
0x108: {  	v48 =	vmul.f32 v48, v34;
	v58 =	vld.idx.msk [tilespmem:v46+s1+$0x11 ss:$0x1], $0xffff;
	p0 =	slt.u32 s25, $0x1FE;
	v54 =	vadd.f32 v56, v54  }
0x109: {  	v49 =	vmul.f32 v49, v34;
	v56 =	vld.idx.msk [tilespmem:v46+s1+$0x1 ss:$0x1], $0xffff;
	v50 =	vadd.f32 v50, v55  }
0x10a: {  	v51 =	vmul.f32 v51, v36;
	v55 =	vld.idx.msk [tilespmem:v46+s1+$0x10 ss:$0x1], $0xffff;
	v48 =	vadd.f32 v48, v54  }
0x10b: {  	v54 =	vld.idx.msk [tilespmem:v46+s1+$0x0 ss:$0x1], $0xffff;
	v49 =	vadd.f32 v49, v50;
	v50 =	vmul.f32 v52, v36  }
0x10c: {  	v52 =	vld.idx.msk [tilespmem:v47+s1+$0x0 ss:$0x1], $0xffff;
	v48 =	vadd.f32 v51, v48;
	v51 =	vmul.f32 v53, v30  }
0x10d: {  	v53 =	vld.idx.msk [tilespmem:v47+s1+$0xFFFFFFF0 ss:$0x1], $0xffff;
	v49 =	vadd.f32 v50, v49;
	v50 =	vmul.f32 v57, v30  }
0x10e: {  	v57 =	vmul.f32 v58, v25;
	v58 =	vld.idx.msk [tilespmem:v47+s1+$0xFFFFFFFF ss:$0x1], $0xffff;
	v48 =	vadd.f32 v51, v48  }
0x10f: {  	v51 =	vmul.f32 v56, v25;
	v56 =	vld.idx.msk [tilespmem:v47+s1+$0xFFFFFFEF ss:$0x1], $0xffff;
	v49 =	vadd.f32 v50, v49  }
0x110: {  	v50 =	vadd.f32 $0.0e+00, v57;
	v55 =	vmul.f32 v55, v24;
	v57 =	vld.idx.msk [tilespmem:v40+s1+$0x5190 ss:$0x1], $0xffff;
	[tilespmem:s24+$0x11C10] =	vst v48  }
0x111: {  	v48 =	vadd.f32 $0.0e+00, v51;
	v51 =	vmul.f32 v54, v24;
	v54 =	vld.idx.msk [tilespmem:v40+s1+$0x5180 ss:$0x1], $0xffff;
	[tilespmem:s24+$0x11C00] =	vst v49;
	s24 =	smov.u32 s1  }
0x112: {  	v49 =	vadd.f32 v55, v50;
	v50 =	vmul.f32 v52, v27;
	v52 =	vld.idx.msk [tilespmem:v40+s24+$0x518F ss:$0x1], $0xffff  }
0x113: {  	v48 =	vadd.f32 v51, v48;
	v51 =	vmul.f32 v53, v27;
	v53 =	vld.idx.msk [tilespmem:v40+s24+$0x517F ss:$0x1], $0xffff  }
0x114: {  	v49 =	vadd.f32 v50, v49;
	v50 =	vmul.f32 v58, v26;
	v55 =	vld.idx.msk [tilespmem:v41+s24+$0x7210 ss:$0x1], $0xffff  }
0x115: {  	v48 =	vadd.f32 v51, v48;
	v51 =	vmul.f32 v56, v26;
	v56 =	vld.idx.msk [tilespmem:v41+s24+$0x7200 ss:$0x1], $0xffff  }
0x116: {  	v49 =	vadd.f32 v50, v49;
	v50 =	vmul.f32 v57, v29;
	v57 =	vld.idx.msk [tilespmem:v41+s24+$0x720F ss:$0x1], $0xffff  }
0x117: {  	v48 =	vadd.f32 v51, v48;
	v51 =	vmul.f32 v54, v29;
	v54 =	vld.idx.msk [tilespmem:v41+s24+$0x71FF ss:$0x1], $0xffff  }
0x118: {  	v49 =	vadd.f32 v50, v49;
	v50 =	vmul.f32 v52, v28;
	v52 =	vld.idx.msk [tilespmem:v42+s24+$0x9290 ss:$0x1], $0xffff  }
0x119: {  	v48 =	vadd.f32 v51, v48;
	v51 =	vmul.f32 v53, v28;
	v53 =	vld.idx.msk [tilespmem:v42+s24+$0x9280 ss:$0x1], $0xffff  }
0x11a: {  	v49 =	vadd.f32 v50, v49;
	v50 =	vmul.f32 v55, v32;
	v55 =	vld.idx.msk [tilespmem:v42+s24+$0x928F ss:$0x1], $0xffff  }
0x11b: {  	v48 =	vadd.f32 v51, v48;
	v51 =	vmul.f32 v56, v32;
	v56 =	vld.idx.msk [tilespmem:v42+s24+$0x927F ss:$0x1], $0xffff  }
0x11c: {  	v49 =	vadd.f32 v50, v49;
	v50 =	vmul.f32 v57, v31;
	v57 =	vld.idx.msk [tilespmem:v43+s24+$0xB310 ss:$0x1], $0xffff  }
0x11d: {  	v48 =	vadd.f32 v51, v48;
	v51 =	vmul.f32 v54, v31;
	v54 =	vld.idx.msk [tilespmem:v43+s24+$0xB300 ss:$0x1], $0xffff  }
0x11e: {  	v49 =	vadd.f32 v50, v49;
	v50 =	vmul.f32 v52, v35;
	v52 =	vld.idx.msk [tilespmem:v43+s24+$0xB30F ss:$0x1], $0xffff  }
0x11f: {  	v48 =	vadd.f32 v51, v48;
	v51 =	vmul.f32 v53, v35;
	v53 =	vld.idx.msk [tilespmem:v43+s24+$0xB2FF ss:$0x1], $0xffff  }
0x120: {  	v49 =	vadd.f32 v50, v49;
	v55 =	vmul.f32 v55, v33;
	v58 =	vld.idx.msk [tilespmem:v44+s24+$0xD390 ss:$0x1], $0xffff  }
0x121: {  	v51 =	vadd.f32 v51, v48;
	v56 =	vmul.f32 v56, v33;
	v50 =	vld.idx.msk [tilespmem:v44+s24+$0xD380 ss:$0x1], $0xffff  }
.Ltmp2:
0x122: {  	v55 =	vadd.f32 v55, v49;
	v57 =	vmul.f32 v57, v38;
	v48 =	vld.idx.msk [tilespmem:v44+s24+$0xD38F ss:$0x1], $0xffff;
	(pc) =	sbr.rel @p0 .LBB2_5-.Ltmp2, $4  }
0x123: {  	v56 =	vadd.f32 v56, v51;
	v54 =	vmul.f32 v54, v38;
	v49 =	vld.idx.msk [tilespmem:v44+s24+$0xD37F ss:$0x1], $0xffff  }
0x124: {  	v59 =	vadd.f32 v57, v55;
	v60 =	vmul.f32 v52, v37;
	v51 =	vld.idx.msk [tilespmem:v45+s24+$0xF410 ss:$0x1], $0xffff  }
0x125: {  	v55 =	vadd.f32 v54, v56;
	v57 =	vmul.f32 v53, v37;
	v52 =	vld.idx.msk [tilespmem:v45+s24+$0xF400 ss:$0x1], $0xffff  }
0x126: {  	s26 =	sadd.s32 $0x80, s26;
	v54 =	vadd.f32 v60, v59;
	v56 =	vmul.f32 v58, v39;
	v53 =	vld.idx.msk [tilespmem:v45+s24+$0xF40F ss:$0x1], $0xffff  }
0x127: {  	_ =	sdelay $0x2  }
0x128: {  	v24 =	vadd.f32 v57, v55;
	v25 =	vmul.f32 v50, v39  }
0x129: {  	v26 =	vld.idx.msk [tilespmem:v45+s24+$0xF3FF ss:$0x1], $0xffff;
	v28 =	vmul.f32 v48, v34;
	v27 =	vadd.f32 v56, v54  }
0x12a: {  	v58 =	vmul.f32 v49, v34;
	v24 =	vadd.f32 v25, v24  }
0x12b: {  	v59 =	vmul.f32 v51, v36;
	v27 =	vadd.f32 v28, v27  }
0x12c: {  	v60 =	vmul.f32 v52, v36;
	v24 =	vadd.f32 v58, v24  }
0x12d: {  	v61 =	vmul.f32 v53, v30;
	v27 =	vadd.f32 v59, v27  }
0x12e: {  	v62 =	vmul.f32 v26, v30;
	v24 =	vadd.f32 v60, v24  }
0x12f: {  	v63 =	vadd.f32 v61, v27  }
0x130: {  	v24 =	vadd.f32 v62, v24  }
0x131: {  	s3 =	sadd.s32 $0x1, s3;
	[tilespmem:s24+$0x11C10] =	vst v63  }
0x132: {  	p0 =	sne.s32 s3, s21;
	[tilespmem:s24+$0x11C00] =	vst v24  }
.Ltmp3:
0x133: {  	s4 =	simm.s32 $0x10C00;
	s1 =	rddreg [dreg:$0x4];
	(pc) =	sbr.rel @p0 .LBB2_2-.Ltmp3, $4  }
0x134: {  	[hbm4b:s1+s22] =	stream.strided.scatter [tilespmem:s4], [sflag:$0x3], $0x2000, s23, s22, $0x38;
	[tilespmem:$0x12C00] =	vst v63  }
0x135: {  	_ =	swait.ge [sflag:s31], $0x2000  }
0x136: {  	[sflag:s31] =	ssyncset.done $0x0  }
0x137: {  	[sflag:s31] =	ssyncadd.s32 $0xFFFFE000  }
.LBB2_7:
0x138: {  	_ =	sfence.sel $0x180000  }
0x139: {  	[bflag:$0x0] =	sbarrier.arrive $0xFFFF  }
0x13a: {  	_ =	strace $0x90000047  }
0x13b: {  	s0 =	stileid.u32;
	[bflag:$0x2] =	sbarrier.arrive $0xFFFF  }
0x13c: {  	p0 =	sne.s32 s0, $0x0;
	s0 =	rddreg [dreg:$0x3]  }
0x13d: {  	s0 =	sadd.s32 @!p0 $0x100000, s0  }
0x13e: {  	[sflag:s0] =	ssyncadd.tile.s32 @!p0 $0x1;
	_ =	shalt  }
.Lfunc_end2:
_tile_overlayer_lowered:
.L_overlay_start_2:
0x13f: {  	(tag) =	ssettag $0x2  }
0x140: {  	s0 =	rddreg [dreg:$0x0];
	s2 =	stileid.u32  }
0x141: {  	s1 =	rddreg [dreg:$0x1];
	p0 =	sne.s32 s2, $0x0  }
0x142: {  	s3 =	rddreg [dreg:$0x2];
	[bflag:$0x3] =	sbarrier.arrive $0xFFFF;
	s2 =	simm.s32 @!p0 $0x1C03  }
0x143: {  	[timem:s3], [sflag:s2] =	dma.local @!p0 [hbm:s0], s1  }
0x144: {  	s0 =	simm.s32 @!p0 $0x3  }
0x145: {  	_ =	swait.ge @!p0 [sflag:s0], s1  }
0x146: {  	s1 =	ssub.s32 @!p0 $0x0, s1;
	[sflag:s0] =	ssyncset.done @!p0 $0x0  }
0x147: {  	[sflag:s0] =	ssyncadd.s32 @!p0 s1  }
0x148: {  	[bflag:$0x3] =	sbarrier.arrive $0xFFFF  }
0x149: {  	_ =	shalt  }

</sc_bundles>
